<compile_context>
chip_gen: v7x
topology: tpu7x:2x2x1
jax: 0.10.2.dev20260603
libtpu: 0.0.44.dev20260713+nightly
codegen_flags: <defaults>
</compile_context>

<pallas_src>
import functools

import jax
import jax.numpy as jnp
from jax import lax
from jax.experimental import pallas as pl
from jax.experimental.pallas import tpu as pltpu
from jax.experimental.pallas import tpu_sc as plsc

N = 10000
E = 320000
D_IN = 128
W_AUG = 136
NC, NS = 2, 16
NW = NC * NS
EDGES_PER_TILE = E // NW
CHUNK = 80
NCHUNK = EDGES_PER_TILE // CHUNK
PHASE_A = 63
ROWS_PER_SUBCORE = N // NS

_sc_mesh = plsc.VectorSubcoreMesh(core_axis_name="c", subcore_axis_name="s")


@functools.partial(
    pl.kernel,
    out_type=jax.ShapeDtypeStruct((NC * N, W_AUG), jnp.float32),
    mesh=_sc_mesh,
    scratch_types=[
        pltpu.VMEM_SHARED((N, W_AUG), jnp.float32),
        pltpu.VMEM((CHUNK, W_AUG), jnp.float32),
        pltpu.VMEM((CHUNK, W_AUG), jnp.float32),
        pltpu.VMEM((CHUNK, W_AUG), jnp.float32),
        pltpu.VMEM((PHASE_A, CHUNK), jnp.int32),
        pltpu.VMEM((PHASE_A, CHUNK), jnp.int32),
        pltpu.SemaphoreType.DMA,
        pltpu.SemaphoreType.DMA,
        pltpu.SemaphoreType.DMA,
    ],
    compiler_params=pltpu.CompilerParams(use_tc_tiling_on_sc=False),
)
def _sc_scatter_pass(table, gidx, sidx, zeros, out, acc, rows0, rows1, rows2,
                     gia, sia, sem0, sem1, sem2):
    c = lax.axis_index("c")
    s = lax.axis_index("s")
    wid = c * NS + s
    rows_b = (rows0, rows1, rows2)
    sem_b = (sem0, sem1, sem2)
    pltpu.sync_copy(zeros, acc.at[pl.ds(s * ROWS_PER_SUBCORE, ROWS_PER_SUBCORE)])
    pltpu.sync_copy(gidx.at[wid, pl.ds(0, PHASE_A)], gia)
    pltpu.sync_copy(sidx.at[wid, pl.ds(0, PHASE_A)], sia)
    plsc.subcore_barrier()

    for off, nch in ((0, PHASE_A), (PHASE_A, NCHUNK - PHASE_A)):
        if off:
            pltpu.sync_copy(gidx.at[wid, pl.ds(off, nch)], gia.at[pl.ds(0, nch)])
            pltpu.sync_copy(sidx.at[wid, pl.ds(off, nch)], sia.at[pl.ds(0, nch)])
        pltpu.async_copy(table.at[gia.at[0]], rows0, sem0)
        pltpu.async_copy(table.at[gia.at[1]], rows1, sem1)

        def tri_body(i, carry, nch=nch):
            c0 = 3 * i
            pltpu.async_copy(table.at[gia.at[c0 + 2]], rows2, sem2)
            for k in range(3):
                cj = c0 + k
                pltpu.make_async_copy(table.at[gia.at[cj]], rows_b[k], sem_b[k]).wait()
                pltpu.sync_copy(rows_b[k], acc.at[sia.at[cj]], add=True)
                if k < 2:
                    @pl.when(cj + 3 < nch)
                    def _():
                        pltpu.async_copy(table.at[gia.at[cj + 3]], rows_b[k], sem_b[k])
            return carry

        lax.fori_loop(0, nch // 3, tri_body, 0)
        for j in range(nch - nch % 3, nch):
            b = j % 3
            pltpu.make_async_copy(table.at[gia.at[j]], rows_b[b], sem_b[b]).wait()
            pltpu.sync_copy(rows_b[b], acc.at[sia.at[j]], add=True)

    plsc.subcore_barrier()
    row0 = s * ROWS_PER_SUBCORE
    pltpu.sync_copy(
        acc.at[pl.ds(row0, ROWS_PER_SUBCORE)],
        out.at[pl.ds(c * N + row0, ROWS_PER_SUBCORE)],
    )


def _mid_body(p_ref, o_ref):
    p = p_ref[...]
    ssum = p[0] + p[1]
    deg = ssum[:, D_IN]
    inv = jnp.where(deg > 0, 1.0 / deg, 0.0)
    he = ssum[:, :D_IN] * inv[:, None]
    bm = he.shape[0]
    pad = jnp.concatenate(
        [jnp.ones((bm, 1), jnp.float32), jnp.zeros((bm, W_AUG - D_IN - 1), jnp.float32)],
        axis=1,
    )
    o_ref[...] = jnp.concatenate([he, pad], axis=1)


def _final_body(q_ref, whg_ref, bhg_ref, wl_ref, bl_ref, o_ref):
    q = q_ref[...]
    ssum = q[0] + q[1]
    deg = ssum[:, D_IN]
    inv = jnp.where(deg > 0, 1.0 / deg, 0.0)
    h = ssum[:, :D_IN] * inv[:, None]
    h = lax.dot_general(
        h, whg_ref[...], (((1,), (1,)), ((), ())),
        preferred_element_type=jnp.float32,
    ) + bhg_ref[...]
    y = lax.dot_general(
        h, wl_ref[...], (((1,), (1,)), ((), ())),
        preferred_element_type=jnp.float32,
    ) + bl_ref[...]
    m = jnp.max(y, axis=1, keepdims=True)
    e = jnp.exp(y - m)
    o_ref[...] = e / jnp.sum(e, axis=1, keepdims=True)


_BM = 2000


def kernel(X, edge_index, W_hg, b_hg, W_lin, b_lin):
    node_idx = edge_index[0].reshape(NW, NCHUNK, CHUNK)
    he_idx = edge_index[1].reshape(NW, NCHUNK, CHUNK)
    zeros = jnp.zeros((ROWS_PER_SUBCORE, W_AUG), jnp.float32)
    x_aug = jnp.concatenate(
        [X, jnp.ones((N, 1), jnp.float32),
         jnp.zeros((N, W_AUG - D_IN - 1), jnp.float32)], axis=1)

    he_part = _sc_scatter_pass(x_aug, node_idx, he_idx, zeros)
    he_part = he_part.reshape(NC, N, W_AUG)

    he_aug = pl.pallas_call(
        _mid_body,
        grid=(N // _BM,),
        in_specs=[pl.BlockSpec((NC, _BM, W_AUG), lambda i: (0, i, 0))],
        out_specs=pl.BlockSpec((_BM, W_AUG), lambda i: (i, 0)),
        out_shape=jax.ShapeDtypeStruct((N, W_AUG), jnp.float32),
    )(he_part)

    out_part = _sc_scatter_pass(he_aug, he_idx, node_idx, zeros)
    out_part = out_part.reshape(NC, N, W_AUG)

    y = pl.pallas_call(
        _final_body,
        grid=(N // _BM,),
        in_specs=[
            pl.BlockSpec((NC, _BM, W_AUG), lambda i: (0, i, 0)),
            pl.BlockSpec((D_IN, D_IN), lambda i: (0, 0)),
            pl.BlockSpec((1, D_IN), lambda i: (0, 0)),
            pl.BlockSpec((D_IN, D_IN), lambda i: (0, 0)),
            pl.BlockSpec((1, D_IN), lambda i: (0, 0)),
        ],
        out_specs=pl.BlockSpec((_BM, D_IN), lambda i: (i, 0)),
        out_shape=jax.ShapeDtypeStruct((N, D_IN), jnp.float32),
    )(out_part, W_hg, b_hg.reshape(1, D_IN), W_lin, b_lin.reshape(1, D_IN))

    return y

# --- scband reference (transcript-rebuilt; emitter-appended) ---
"""Pipeline reference for scband-model-16200616641211 (READ-ONLY COPY).

The authoritative reference and input builder live on the scoring server;
editing this copy changes nothing except your own understanding.
"""

import jax, jax.numpy as jnp
import numpy as np

N = 10000
E = 320000
M = 10000
D_IN = 128
D_OUT = 128


def setup_inputs(seed: int = 0):
    key = jax.random.key(seed)
    ks = jax.random.split(key, 6)
    X = jax.random.normal(ks[0], (N, D_IN), dtype=jnp.float32)
    edge_index = jax.random.randint(ks[1], (2, E), 0, M, dtype=jnp.int32)
    s = 1.0 / np.sqrt(D_IN)
    W_hg = jax.random.uniform(ks[2], (D_IN, D_IN), jnp.float32, -s, s)
    b_hg = jax.random.uniform(ks[3], (D_IN,), jnp.float32, -s, s)
    W_lin = jax.random.uniform(ks[4], (D_OUT, D_IN), jnp.float32, -s, s)
    b_lin = jax.random.uniform(ks[5], (D_OUT,), jnp.float32, -s, s)
    return {"X": X, "edge_index": edge_index, "W_hg": W_hg, "b_hg": b_hg, "W_lin": W_lin, "b_lin": b_lin}


def _hypergraph_conv(x, node_idx, he_idx, W, b):
    # PyG HypergraphConv: X' = D^{-1} H W B^{-1} H^T X Theta (+ bias), W = identity weights
    x = x @ W.T
    D = jax.ops.segment_sum(jnp.ones(E, jnp.float32), node_idx, num_segments=N)
    Dinv = jnp.where(D > 0, 1.0 / D, 0.0)
    B = jax.ops.segment_sum(jnp.ones(E, jnp.float32), he_idx, num_segments=M)
    Binv = jnp.where(B > 0, 1.0 / B, 0.0)
    # node -> hyperedge aggregation with B^{-1} normalization
    he_feat = jax.ops.segment_sum(Binv[he_idx][:, None] * x[node_idx], he_idx, num_segments=M)
    # hyperedge -> node aggregation with D^{-1} normalization
    out = Dinv[:, None] * jax.ops.segment_sum(he_feat[he_idx], node_idx, num_segments=N)
    return out + b


def reference(X, edge_index, W_hg, b_hg, W_lin, b_lin):
    node_idx = edge_index[0]
    he_idx = edge_index[1]
    y = X  # nn.Dropout(0.5) in eval mode = identity
    y = _hypergraph_conv(y, node_idx, he_idx, W_hg, b_hg)
    y = y @ W_lin.T + b_lin
    y = jax.nn.softmax(y, axis=1)
    return y

if __name__ == "__main__":
    import jax
    _d = setup_inputs()
    print(jax.jit(kernel)(*tuple(_d.values())))

</pallas_src>

<mosaic_0001>
#map = affine_map<(d0, d1) -> (0, 0)>
#map1 = affine_map<(d0, d1) -> (0, 0, 0)>
module attributes {stable_mosaic.version = 14 : i64} {
  func.func @_sc_scatter_pass(%arg0: i32, %arg1: i32, %arg2: memref<10000x136xf32, #tpu.memory_space<hbm>>, %arg3: memref<32x125x80xi32, #tpu.memory_space<hbm>>, %arg4: memref<32x125x80xi32, #tpu.memory_space<hbm>>, %arg5: memref<625x136xf32, #tpu.memory_space<hbm>>, %arg6: memref<20000x136xf32, #tpu.memory_space<hbm>>, %arg7: memref<10000x136xf32, #tpu.memory_space<vmem_shared>>, %arg8: memref<80x136xf32, #tpu.memory_space<vmem>>, %arg9: memref<80x136xf32, #tpu.memory_space<vmem>>, %arg10: memref<80x136xf32, #tpu.memory_space<vmem>>, %arg11: memref<63x80xi32, #tpu.memory_space<vmem>>, %arg12: memref<63x80xi32, #tpu.memory_space<vmem>>, %arg13: memref<!tpu.dma_semaphore, #tpu.memory_space<semaphore_mem>>, %arg14: memref<!tpu.dma_semaphore, #tpu.memory_space<semaphore_mem>>, %arg15: memref<!tpu.dma_semaphore, #tpu.memory_space<semaphore_mem>>) attributes {dimension_semantics = [#tpu.dimension_semantics<core_parallel>, #tpu.dimension_semantics<subcore_parallel>], iteration_bounds = array<i64: 2, 16>, scalar_prefetch = 0 : i64, scratch_operands = 9 : i64, tpu.core_type = #tpu.core_type<sc_vector_subcore>, window_params = [{transform_indices = #map}, {transform_indices = #map1}, {transform_indices = #map1}, {transform_indices = #map}, {transform_indices = #map}]} {
    %mul3A = arith.constant 16 : i32
    %mul3A_0 = arith.muli %arg0, %mul3A : i32
    %add3A = arith.addi %mul3A_0, %arg1 : i32
    %mul3A_1 = arith.constant 625 : i32
    %mul3A_2 = arith.muli %arg1, %mul3A_1 : i32
    "tpu.region"() ({
      %run_scoped3A_61 = tpu.sem_alloc : memref<!tpu.dma_semaphore, #tpu.memory_space<semaphore_mem>>
      %dma_start3A_62 = arith.constant 0 : i32
      %dma_start3A_63 = tpu.memref_slice %arg7[%mul3A_2, %dma_start3A_62] : memref<10000x136xf32, #tpu.memory_space<vmem_shared>> -> memref<625x136xf32, #tpu.memory_space<vmem_shared>>
      tpu.enqueue_dma source(%arg5 : memref<625x136xf32, #tpu.memory_space<hbm>>) target(%dma_start3A_63 : memref<625x136xf32, #tpu.memory_space<vmem_shared>>) target_semaphore(%run_scoped3A_61 : memref<!tpu.dma_semaphore, #tpu.memory_space<semaphore_mem>>)
      %dma_wait3A_64 = arith.constant 0 : i32
      %dma_wait3A_65 = tpu.memref_slice %arg7[%mul3A_2, %dma_wait3A_64] : memref<10000x136xf32, #tpu.memory_space<vmem_shared>> -> memref<625x136xf32, #tpu.memory_space<vmem_shared>>
      tpu.wait_dma2 semaphore(%run_scoped3A_61 : memref<!tpu.dma_semaphore, #tpu.memory_space<semaphore_mem>>) src(%arg5 : memref<625x136xf32, #tpu.memory_space<hbm>>) dst(%dma_wait3A_65 : memref<625x136xf32, #tpu.memory_space<vmem_shared>>)
      tpu.yield
    }) : () -> ()
    "tpu.region"() ({
      %run_scoped3A_61 = tpu.sem_alloc : memref<!tpu.dma_semaphore, #tpu.memory_space<semaphore_mem>>
      %dma_start3A_62 = arith.constant 0 : i32
      %dma_start3A_63 = arith.constant 0 : i32
      %dma_start3A_64 = tpu.memref_slice %arg3[%add3A, %dma_start3A_62, %dma_start3A_63] : memref<32x125x80xi32, #tpu.memory_space<hbm>> -> memref<1x63x80xi32, #tpu.memory_space<hbm>>
      %dma_start3A_65 = tpu.memref_squeeze %dma_start3A_64 : memref<1x63x80xi32, #tpu.memory_space<hbm>> -> memref<63x80xi32, #tpu.memory_space<hbm>>
      %dma_start3A_66 = arith.constant 0 : i32
      %dma_start3A_67 = arith.constant 0 : i32
      %dma_start3A_68 = tpu.memref_slice %arg3[%add3A, %dma_start3A_66, %dma_start3A_67] : memref<32x125x80xi32, #tpu.memory_space<hbm>> -> memref<1x63x80xi32, #tpu.memory_space<hbm>>
      %dma_start3A_69 = tpu.memref_squeeze %dma_start3A_68 : memref<1x63x80xi32, #tpu.memory_space<hbm>> -> memref<63x80xi32, #tpu.memory_space<hbm>>
      tpu.enqueue_dma source(%dma_start3A_69 : memref<63x80xi32, #tpu.memory_space<hbm>>) target(%arg11 : memref<63x80xi32, #tpu.memory_space<vmem>>) target_semaphore(%run_scoped3A_61 : memref<!tpu.dma_semaphore, #tpu.memory_space<semaphore_mem>>)
      %dma_wait3A_70 = arith.constant 0 : i32
      %dma_wait3A_71 = arith.constant 0 : i32
      %dma_wait3A_72 = tpu.memref_slice %arg3[%add3A, %dma_wait3A_70, %dma_wait3A_71] : memref<32x125x80xi32, #tpu.memory_space<hbm>> -> memref<1x63x80xi32, #tpu.memory_space<hbm>>
      %dma_wait3A_73 = tpu.memref_squeeze %dma_wait3A_72 : memref<1x63x80xi32, #tpu.memory_space<hbm>> -> memref<63x80xi32, #tpu.memory_space<hbm>>
      %dma_wait3A_74 = arith.constant 0 : i32
      %dma_wait3A_75 = arith.constant 0 : i32
      %dma_wait3A_76 = tpu.memref_slice %arg3[%add3A, %dma_wait3A_74, %dma_wait3A_75] : memref<32x125x80xi32, #tpu.memory_space<hbm>> -> memref<1x63x80xi32, #tpu.memory_space<hbm>>
      %dma_wait3A_77 = tpu.memref_squeeze %dma_wait3A_76 : memref<1x63x80xi32, #tpu.memory_space<hbm>> -> memref<63x80xi32, #tpu.memory_space<hbm>>
      tpu.wait_dma2 semaphore(%run_scoped3A_61 : memref<!tpu.dma_semaphore, #tpu.memory_space<semaphore_mem>>) src(%dma_wait3A_77 : memref<63x80xi32, #tpu.memory_space<hbm>>) dst(%arg11 : memref<63x80xi32, #tpu.memory_space<vmem>>)
      tpu.yield
    }) : () -> ()
    "tpu.region"() ({
      %run_scoped3A_61 = tpu.sem_alloc : memref<!tpu.dma_semaphore, #tpu.memory_space<semaphore_mem>>
      %dma_start3A_62 = arith.constant 0 : i32
      %dma_start3A_63 = arith.constant 0 : i32
      %dma_start3A_64 = tpu.memref_slice %arg4[%add3A, %dma_start3A_62, %dma_start3A_63] : memref<32x125x80xi32, #tpu.memory_space<hbm>> -> memref<1x63x80xi32, #tpu.memory_space<hbm>>
      %dma_start3A_65 = tpu.memref_squeeze %dma_start3A_64 : memref<1x63x80xi32, #tpu.memory_space<hbm>> -> memref<63x80xi32, #tpu.memory_space<hbm>>
      %dma_start3A_66 = arith.constant 0 : i32
      %dma_start3A_67 = arith.constant 0 : i32
      %dma_start3A_68 = tpu.memref_slice %arg4[%add3A, %dma_start3A_66, %dma_start3A_67] : memref<32x125x80xi32, #tpu.memory_space<hbm>> -> memref<1x63x80xi32, #tpu.memory_space<hbm>>
      %dma_start3A_69 = tpu.memref_squeeze %dma_start3A_68 : memref<1x63x80xi32, #tpu.memory_space<hbm>> -> memref<63x80xi32, #tpu.memory_space<hbm>>
      tpu.enqueue_dma source(%dma_start3A_69 : memref<63x80xi32, #tpu.memory_space<hbm>>) target(%arg12 : memref<63x80xi32, #tpu.memory_space<vmem>>) target_semaphore(%run_scoped3A_61 : memref<!tpu.dma_semaphore, #tpu.memory_space<semaphore_mem>>)
      %dma_wait3A_70 = arith.constant 0 : i32
      %dma_wait3A_71 = arith.constant 0 : i32
      %dma_wait3A_72 = tpu.memref_slice %arg4[%add3A, %dma_wait3A_70, %dma_wait3A_71] : memref<32x125x80xi32, #tpu.memory_space<hbm>> -> memref<1x63x80xi32, #tpu.memory_space<hbm>>
      %dma_wait3A_73 = tpu.memref_squeeze %dma_wait3A_72 : memref<1x63x80xi32, #tpu.memory_space<hbm>> -> memref<63x80xi32, #tpu.memory_space<hbm>>
      %dma_wait3A_74 = arith.constant 0 : i32
      %dma_wait3A_75 = arith.constant 0 : i32
      %dma_wait3A_76 = tpu.memref_slice %arg4[%add3A, %dma_wait3A_74, %dma_wait3A_75] : memref<32x125x80xi32, #tpu.memory_space<hbm>> -> memref<1x63x80xi32, #tpu.memory_space<hbm>>
      %dma_wait3A_77 = tpu.memref_squeeze %dma_wait3A_76 : memref<1x63x80xi32, #tpu.memory_space<hbm>> -> memref<63x80xi32, #tpu.memory_space<hbm>>
      tpu.wait_dma2 semaphore(%run_scoped3A_61 : memref<!tpu.dma_semaphore, #tpu.memory_space<semaphore_mem>>) src(%dma_wait3A_77 : memref<63x80xi32, #tpu.memory_space<hbm>>) dst(%arg12 : memref<63x80xi32, #tpu.memory_space<vmem>>)
      tpu.yield
    }) : () -> ()
    %barrier3A = arith.constant 0 : index
    tpu.barrier barrier_id(%barrier3A)
    %dma_start3A = arith.constant 0 : i32
    %dma_start3A_3 = arith.constant 0 : i32
    %dma_start3A_4 = tpu.memref_slice %arg11[%dma_start3A, %dma_start3A_3] : memref<63x80xi32, #tpu.memory_space<vmem>> -> memref<1x80xi32, #tpu.memory_space<vmem>>
    %dma_start3A_5 = tpu.memref_squeeze %dma_start3A_4 : memref<1x80xi32, #tpu.memory_space<vmem>> -> memref<80xi32, #tpu.memory_space<vmem>>
    %dma_start3A_6 = arith.constant 0 : i32
    %dma_start3A_7 = arith.constant 0 : i32
    %dma_start3A_8 = tpu.memref_slice %arg2[%dma_start3A_6, %dma_start3A_7] : memref<10000x136xf32, #tpu.memory_space<hbm>> -> memref<10000x136xf32, #tpu.memory_space<hbm>>
    tpu.enqueue_indirect_dma source(%dma_start3A_8 : memref<10000x136xf32, #tpu.memory_space<hbm>>) target(%arg8 : memref<80x136xf32, #tpu.memory_space<vmem>>) offsets(%dma_start3A_5 : memref<80xi32, #tpu.memory_space<vmem>>) semaphore(%arg13 : memref<!tpu.dma_semaphore, #tpu.memory_space<semaphore_mem>>)
    %dma_start3A_9 = arith.constant 1 : i32
    %dma_start3A_10 = arith.constant 0 : i32
    %dma_start3A_11 = tpu.memref_slice %arg11[%dma_start3A_9, %dma_start3A_10] : memref<63x80xi32, #tpu.memory_space<vmem>> -> memref<1x80xi32, #tpu.memory_space<vmem>>
    %dma_start3A_12 = tpu.memref_squeeze %dma_start3A_11 : memref<1x80xi32, #tpu.memory_space<vmem>> -> memref<80xi32, #tpu.memory_space<vmem>>
    %dma_start3A_13 = arith.constant 0 : i32
    %dma_start3A_14 = arith.constant 0 : i32
    %dma_start3A_15 = tpu.memref_slice %arg2[%dma_start3A_13, %dma_start3A_14] : memref<10000x136xf32, #tpu.memory_space<hbm>> -> memref<10000x136xf32, #tpu.memory_space<hbm>>
    tpu.enqueue_indirect_dma source(%dma_start3A_15 : memref<10000x136xf32, #tpu.memory_space<hbm>>) target(%arg9 : memref<80x136xf32, #tpu.memory_space<vmem>>) offsets(%dma_start3A_12 : memref<80xi32, #tpu.memory_space<vmem>>) semaphore(%arg14 : memref<!tpu.dma_semaphore, #tpu.memory_space<semaphore_mem>>)
    %scan3A = arith.constant 0 : i32
    %scan3A_16 = arith.constant 0 : i32
    %scan3A_17 = arith.constant 21 : i32
    %scan3A_18 = arith.addi %scan3A_16, %scan3A_17 : i32
    %scan3A_19 = arith.constant 1 : i32
    scf.for %scan3A_61 = %scan3A_16 to %scan3A_18 step %scan3A_19  : i32 {
      %mul3A_62 = arith.constant 3 : i32
      %mul3A_63 = arith.muli %mul3A_62, %scan3A_61 : i32
      %add3A_64 = arith.constant 2 : i32
      %add3A_65 = arith.addi %mul3A_63, %add3A_64 : i32
      %dma_start3A_66 = arith.constant 0 : i32
      %dma_start3A_67 = tpu.memref_slice %arg11[%add3A_65, %dma_start3A_66] : memref<63x80xi32, #tpu.memory_space<vmem>> -> memref<1x80xi32, #tpu.memory_space<vmem>>
      %dma_start3A_68 = tpu.memref_squeeze %dma_start3A_67 : memref<1x80xi32, #tpu.memory_space<vmem>> -> memref<80xi32, #tpu.memory_space<vmem>>
      %dma_start3A_69 = arith.constant 0 : i32
      %dma_start3A_70 = arith.constant 0 : i32
      %dma_start3A_71 = tpu.memref_slice %arg2[%dma_start3A_69, %dma_start3A_70] : memref<10000x136xf32, #tpu.memory_space<hbm>> -> memref<10000x136xf32, #tpu.memory_space<hbm>>
      tpu.enqueue_indirect_dma source(%dma_start3A_71 : memref<10000x136xf32, #tpu.memory_space<hbm>>) target(%arg10 : memref<80x136xf32, #tpu.memory_space<vmem>>) offsets(%dma_start3A_68 : memref<80xi32, #tpu.memory_space<vmem>>) semaphore(%arg15 : memref<!tpu.dma_semaphore, #tpu.memory_space<semaphore_mem>>)
      %add3A_72 = arith.constant 0 : i32
      %add3A_73 = arith.addi %mul3A_63, %add3A_72 : i32
      %dma_wait3A_74 = arith.constant 0 : i32
      %dma_wait3A_75 = tpu.memref_slice %arg11[%add3A_73, %dma_wait3A_74] : memref<63x80xi32, #tpu.memory_space<vmem>> -> memref<1x80xi32, #tpu.memory_space<vmem>>
      %dma_wait3A_76 = tpu.memref_squeeze %dma_wait3A_75 : memref<1x80xi32, #tpu.memory_space<vmem>> -> memref<80xi32, #tpu.memory_space<vmem>>
      %dma_wait3A_77 = arith.constant 0 : i32
      %dma_wait3A_78 = arith.constant 0 : i32
      %dma_wait3A_79 = tpu.memref_slice %arg2[%dma_wait3A_77, %dma_wait3A_78] : memref<10000x136xf32, #tpu.memory_space<hbm>> -> memref<10000x136xf32, #tpu.memory_space<hbm>>
      tpu.wait_indirect_dma semaphore(%arg13 : memref<!tpu.dma_semaphore, #tpu.memory_space<semaphore_mem>>) src(%dma_wait3A_79 : memref<10000x136xf32, #tpu.memory_space<hbm>>) dst(%arg8 : memref<80x136xf32, #tpu.memory_space<vmem>>)
      "tpu.region"() ({
        %run_scoped3A_107 = tpu.sem_alloc : memref<!tpu.dma_semaphore, #tpu.memory_space<semaphore_mem>>
        %dma_start3A_108 = arith.constant 0 : i32
        %dma_start3A_109 = tpu.memref_slice %arg12[%add3A_73, %dma_start3A_108] : memref<63x80xi32, #tpu.memory_space<vmem>> -> memref<1x80xi32, #tpu.memory_space<vmem>>
        %dma_start3A_110 = tpu.memref_squeeze %dma_start3A_109 : memref<1x80xi32, #tpu.memory_space<vmem>> -> memref<80xi32, #tpu.memory_space<vmem>>
        %dma_start3A_111 = arith.constant 0 : i32
        %dma_start3A_112 = arith.constant 0 : i32
        %dma_start3A_113 = tpu.memref_slice %arg7[%dma_start3A_111, %dma_start3A_112] : memref<10000x136xf32, #tpu.memory_space<vmem_shared>> -> memref<10000x136xf32, #tpu.memory_space<vmem_shared>>
        tpu.enqueue_indirect_dma source(%arg8 : memref<80x136xf32, #tpu.memory_space<vmem>>) target(%dma_start3A_113 : memref<10000x136xf32, #tpu.memory_space<vmem_shared>>) offsets(%dma_start3A_110 : memref<80xi32, #tpu.memory_space<vmem>>) semaphore(%run_scoped3A_107 : memref<!tpu.dma_semaphore, #tpu.memory_space<semaphore_mem>>) {add = true}
        %dma_wait3A_114 = arith.constant 0 : i32
        %dma_wait3A_115 = tpu.memref_slice %arg12[%add3A_73, %dma_wait3A_114] : memref<63x80xi32, #tpu.memory_space<vmem>> -> memref<1x80xi32, #tpu.memory_space<vmem>>
        %dma_wait3A_116 = tpu.memref_squeeze %dma_wait3A_115 : memref<1x80xi32, #tpu.memory_space<vmem>> -> memref<80xi32, #tpu.memory_space<vmem>>
        %dma_wait3A_117 = arith.constant 0 : i32
        %dma_wait3A_118 = arith.constant 0 : i32
        %dma_wait3A_119 = tpu.memref_slice %arg7[%dma_wait3A_117, %dma_wait3A_118] : memref<10000x136xf32, #tpu.memory_space<vmem_shared>> -> memref<10000x136xf32, #tpu.memory_space<vmem_shared>>
        tpu.wait_indirect_dma semaphore(%run_scoped3A_107 : memref<!tpu.dma_semaphore, #tpu.memory_space<semaphore_mem>>) src(%arg8 : memref<80x136xf32, #tpu.memory_space<vmem>>) dst(%dma_wait3A_119 : memref<10000x136xf32, #tpu.memory_space<vmem_shared>>)
        tpu.yield
      }) : () -> ()
      %add3A_80 = arith.constant 3 : i32
      %add3A_81 = arith.addi %add3A_73, %add3A_80 : i32
      %lt3A = arith.constant 63 : i32
      %lt3A_82 = arith.cmpi slt, %add3A_81, %lt3A : i32
      %convert_element_type3A = arith.extui %lt3A_82 : i1 to i32
      %cond3A = arith.constant 0 : i32
      %cond3A_83 = arith.cmpi ne, %convert_element_type3A, %cond3A : i32
      scf.if %cond3A_83 {
        %add3A_107 = arith.constant 3 : i32
        %add3A_108 = arith.addi %add3A_73, %add3A_107 : i32
        %dma_start3A_109 = arith.constant 0 : i32
        %dma_start3A_110 = tpu.memref_slice %arg11[%add3A_108, %dma_start3A_109] : memref<63x80xi32, #tpu.memory_space<vmem>> -> memref<1x80xi32, #tpu.memory_space<vmem>>
        %dma_start3A_111 = tpu.memref_squeeze %dma_start3A_110 : memref<1x80xi32, #tpu.memory_space<vmem>> -> memref<80xi32, #tpu.memory_space<vmem>>
        %dma_start3A_112 = arith.constant 0 : i32
        %dma_start3A_113 = arith.constant 0 : i32
        %dma_start3A_114 = tpu.memref_slice %arg2[%dma_start3A_112, %dma_start3A_113] : memref<10000x136xf32, #tpu.memory_space<hbm>> -> memref<10000x136xf32, #tpu.memory_space<hbm>>
        tpu.enqueue_indirect_dma source(%dma_start3A_114 : memref<10000x136xf32, #tpu.memory_space<hbm>>) target(%arg8 : memref<80x136xf32, #tpu.memory_space<vmem>>) offsets(%dma_start3A_111 : memref<80xi32, #tpu.memory_space<vmem>>) semaphore(%arg13 : memref<!tpu.dma_semaphore, #tpu.memory_space<semaphore_mem>>)
      } else {
      }
      %add3A_84 = arith.constant 1 : i32
      %add3A_85 = arith.addi %mul3A_63, %add3A_84 : i32
      %dma_wait3A_86 = arith.constant 0 : i32
      %dma_wait3A_87 = tpu.memref_slice %arg11[%add3A_85, %dma_wait3A_86] : memref<63x80xi32, #tpu.memory_space<vmem>> -> memref<1x80xi32, #tpu.memory_space<vmem>>
      %dma_wait3A_88 = tpu.memref_squeeze %dma_wait3A_87 : memref<1x80xi32, #tpu.memory_space<vmem>> -> memref<80xi32, #tpu.memory_space<vmem>>
      %dma_wait3A_89 = arith.constant 0 : i32
      %dma_wait3A_90 = arith.constant 0 : i32
      %dma_wait3A_91 = tpu.memref_slice %arg2[%dma_wait3A_89, %dma_wait3A_90] : memref<10000x136xf32, #tpu.memory_space<hbm>> -> memref<10000x136xf32, #tpu.memory_space<hbm>>
      tpu.wait_indirect_dma semaphore(%arg14 : memref<!tpu.dma_semaphore, #tpu.memory_space<semaphore_mem>>) src(%dma_wait3A_91 : memref<10000x136xf32, #tpu.memory_space<hbm>>) dst(%arg9 : memref<80x136xf32, #tpu.memory_space<vmem>>)
      "tpu.region"() ({
        %run_scoped3A_107 = tpu.sem_alloc : memref<!tpu.dma_semaphore, #tpu.memory_space<semaphore_mem>>
        %dma_start3A_108 = arith.constant 0 : i32
        %dma_start3A_109 = tpu.memref_slice %arg12[%add3A_85, %dma_start3A_108] : memref<63x80xi32, #tpu.memory_space<vmem>> -> memref<1x80xi32, #tpu.memory_space<vmem>>
        %dma_start3A_110 = tpu.memref_squeeze %dma_start3A_109 : memref<1x80xi32, #tpu.memory_space<vmem>> -> memref<80xi32, #tpu.memory_space<vmem>>
        %dma_start3A_111 = arith.constant 0 : i32
        %dma_start3A_112 = arith.constant 0 : i32
        %dma_start3A_113 = tpu.memref_slice %arg7[%dma_start3A_111, %dma_start3A_112] : memref<10000x136xf32, #tpu.memory_space<vmem_shared>> -> memref<10000x136xf32, #tpu.memory_space<vmem_shared>>
        tpu.enqueue_indirect_dma source(%arg9 : memref<80x136xf32, #tpu.memory_space<vmem>>) target(%dma_start3A_113 : memref<10000x136xf32, #tpu.memory_space<vmem_shared>>) offsets(%dma_start3A_110 : memref<80xi32, #tpu.memory_space<vmem>>) semaphore(%run_scoped3A_107 : memref<!tpu.dma_semaphore, #tpu.memory_space<semaphore_mem>>) {add = true}
        %dma_wait3A_114 = arith.constant 0 : i32
        %dma_wait3A_115 = tpu.memref_slice %arg12[%add3A_85, %dma_wait3A_114] : memref<63x80xi32, #tpu.memory_space<vmem>> -> memref<1x80xi32, #tpu.memory_space<vmem>>
        %dma_wait3A_116 = tpu.memref_squeeze %dma_wait3A_115 : memref<1x80xi32, #tpu.memory_space<vmem>> -> memref<80xi32, #tpu.memory_space<vmem>>
        %dma_wait3A_117 = arith.constant 0 : i32
        %dma_wait3A_118 = arith.constant 0 : i32
        %dma_wait3A_119 = tpu.memref_slice %arg7[%dma_wait3A_117, %dma_wait3A_118] : memref<10000x136xf32, #tpu.memory_space<vmem_shared>> -> memref<10000x136xf32, #tpu.memory_space<vmem_shared>>
        tpu.wait_indirect_dma semaphore(%run_scoped3A_107 : memref<!tpu.dma_semaphore, #tpu.memory_space<semaphore_mem>>) src(%arg9 : memref<80x136xf32, #tpu.memory_space<vmem>>) dst(%dma_wait3A_119 : memref<10000x136xf32, #tpu.memory_space<vmem_shared>>)
        tpu.yield
      }) : () -> ()
      %add3A_92 = arith.constant 3 : i32
      %add3A_93 = arith.addi %add3A_85, %add3A_92 : i32
      %lt3A_94 = arith.constant 63 : i32
      %lt3A_95 = arith.cmpi slt, %add3A_93, %lt3A_94 : i32
      %convert_element_type3A_96 = arith.extui %lt3A_95 : i1 to i32
      %cond3A_97 = arith.constant 0 : i32
      %cond3A_98 = arith.cmpi ne, %convert_element_type3A_96, %cond3A_97 : i32
      scf.if %cond3A_98 {
        %add3A_107 = arith.constant 3 : i32
        %add3A_108 = arith.addi %add3A_85, %add3A_107 : i32
        %dma_start3A_109 = arith.constant 0 : i32
        %dma_start3A_110 = tpu.memref_slice %arg11[%add3A_108, %dma_start3A_109] : memref<63x80xi32, #tpu.memory_space<vmem>> -> memref<1x80xi32, #tpu.memory_space<vmem>>
        %dma_start3A_111 = tpu.memref_squeeze %dma_start3A_110 : memref<1x80xi32, #tpu.memory_space<vmem>> -> memref<80xi32, #tpu.memory_space<vmem>>
        %dma_start3A_112 = arith.constant 0 : i32
        %dma_start3A_113 = arith.constant 0 : i32
        %dma_start3A_114 = tpu.memref_slice %arg2[%dma_start3A_112, %dma_start3A_113] : memref<10000x136xf32, #tpu.memory_space<hbm>> -> memref<10000x136xf32, #tpu.memory_space<hbm>>
        tpu.enqueue_indirect_dma source(%dma_start3A_114 : memref<10000x136xf32, #tpu.memory_space<hbm>>) target(%arg9 : memref<80x136xf32, #tpu.memory_space<vmem>>) offsets(%dma_start3A_111 : memref<80xi32, #tpu.memory_space<vmem>>) semaphore(%arg14 : memref<!tpu.dma_semaphore, #tpu.memory_space<semaphore_mem>>)
      } else {
      }
      %add3A_99 = arith.constant 2 : i32
      %add3A_100 = arith.addi %mul3A_63, %add3A_99 : i32
      %dma_wait3A_101 = arith.constant 0 : i32
      %dma_wait3A_102 = tpu.memref_slice %arg11[%add3A_100, %dma_wait3A_101] : memref<63x80xi32, #tpu.memory_space<vmem>> -> memref<1x80xi32, #tpu.memory_space<vmem>>
      %dma_wait3A_103 = tpu.memref_squeeze %dma_wait3A_102 : memref<1x80xi32, #tpu.memory_space<vmem>> -> memref<80xi32, #tpu.memory_space<vmem>>
      %dma_wait3A_104 = arith.constant 0 : i32
      %dma_wait3A_105 = arith.constant 0 : i32
      %dma_wait3A_106 = tpu.memref_slice %arg2[%dma_wait3A_104, %dma_wait3A_105] : memref<10000x136xf32, #tpu.memory_space<hbm>> -> memref<10000x136xf32, #tpu.memory_space<hbm>>
      tpu.wait_indirect_dma semaphore(%arg15 : memref<!tpu.dma_semaphore, #tpu.memory_space<semaphore_mem>>) src(%dma_wait3A_106 : memref<10000x136xf32, #tpu.memory_space<hbm>>) dst(%arg10 : memref<80x136xf32, #tpu.memory_space<vmem>>)
      "tpu.region"() ({
        %run_scoped3A_107 = tpu.sem_alloc : memref<!tpu.dma_semaphore, #tpu.memory_space<semaphore_mem>>
        %dma_start3A_108 = arith.constant 0 : i32
        %dma_start3A_109 = tpu.memref_slice %arg12[%add3A_100, %dma_start3A_108] : memref<63x80xi32, #tpu.memory_space<vmem>> -> memref<1x80xi32, #tpu.memory_space<vmem>>
        %dma_start3A_110 = tpu.memref_squeeze %dma_start3A_109 : memref<1x80xi32, #tpu.memory_space<vmem>> -> memref<80xi32, #tpu.memory_space<vmem>>
        %dma_start3A_111 = arith.constant 0 : i32
        %dma_start3A_112 = arith.constant 0 : i32
        %dma_start3A_113 = tpu.memref_slice %arg7[%dma_start3A_111, %dma_start3A_112] : memref<10000x136xf32, #tpu.memory_space<vmem_shared>> -> memref<10000x136xf32, #tpu.memory_space<vmem_shared>>
        tpu.enqueue_indirect_dma source(%arg10 : memref<80x136xf32, #tpu.memory_space<vmem>>) target(%dma_start3A_113 : memref<10000x136xf32, #tpu.memory_space<vmem_shared>>) offsets(%dma_start3A_110 : memref<80xi32, #tpu.memory_space<vmem>>) semaphore(%run_scoped3A_107 : memref<!tpu.dma_semaphore, #tpu.memory_space<semaphore_mem>>) {add = true}
        %dma_wait3A_114 = arith.constant 0 : i32
        %dma_wait3A_115 = tpu.memref_slice %arg12[%add3A_100, %dma_wait3A_114] : memref<63x80xi32, #tpu.memory_space<vmem>> -> memref<1x80xi32, #tpu.memory_space<vmem>>
        %dma_wait3A_116 = tpu.memref_squeeze %dma_wait3A_115 : memref<1x80xi32, #tpu.memory_space<vmem>> -> memref<80xi32, #tpu.memory_space<vmem>>
        %dma_wait3A_117 = arith.constant 0 : i32
        %dma_wait3A_118 = arith.constant 0 : i32
        %dma_wait3A_119 = tpu.memref_slice %arg7[%dma_wait3A_117, %dma_wait3A_118] : memref<10000x136xf32, #tpu.memory_space<vmem_shared>> -> memref<10000x136xf32, #tpu.memory_space<vmem_shared>>
        tpu.wait_indirect_dma semaphore(%run_scoped3A_107 : memref<!tpu.dma_semaphore, #tpu.memory_space<semaphore_mem>>) src(%arg10 : memref<80x136xf32, #tpu.memory_space<vmem>>) dst(%dma_wait3A_119 : memref<10000x136xf32, #tpu.memory_space<vmem_shared>>)
        tpu.yield
      }) : () -> ()
    }
    %scan3A_20 = arith.constant 21 : i32
    "tpu.region"() ({
      %run_scoped3A_61 = tpu.sem_alloc : memref<!tpu.dma_semaphore, #tpu.memory_space<semaphore_mem>>
      %dma_start3A_62 = arith.constant 0 : i32
      %dma_start3A_63 = arith.constant 0 : i32
      %dma_start3A_64 = tpu.memref_slice %arg11[%dma_start3A_62, %dma_start3A_63] : memref<63x80xi32, #tpu.memory_space<vmem>> -> memref<62x80xi32, #tpu.memory_space<vmem>>
      %dma_start3A_65 = arith.constant 63 : i32
      %dma_start3A_66 = arith.constant 0 : i32
      %dma_start3A_67 = tpu.memref_slice %arg3[%add3A, %dma_start3A_65, %dma_start3A_66] : memref<32x125x80xi32, #tpu.memory_space<hbm>> -> memref<1x62x80xi32, #tpu.memory_space<hbm>>
      %dma_start3A_68 = tpu.memref_squeeze %dma_start3A_67 : memref<1x62x80xi32, #tpu.memory_space<hbm>> -> memref<62x80xi32, #tpu.memory_space<hbm>>
      %dma_start3A_69 = arith.constant 0 : i32
      %dma_start3A_70 = arith.constant 0 : i32
      %dma_start3A_71 = tpu.memref_slice %arg11[%dma_start3A_69, %dma_start3A_70] : memref<63x80xi32, #tpu.memory_space<vmem>> -> memref<62x80xi32, #tpu.memory_space<vmem>>
      %dma_start3A_72 = arith.constant 63 : i32
      %dma_start3A_73 = arith.constant 0 : i32
      %dma_start3A_74 = tpu.memref_slice %arg3[%add3A, %dma_start3A_72, %dma_start3A_73] : memref<32x125x80xi32, #tpu.memory_space<hbm>> -> memref<1x62x80xi32, #tpu.memory_space<hbm>>
      %dma_start3A_75 = tpu.memref_squeeze %dma_start3A_74 : memref<1x62x80xi32, #tpu.memory_space<hbm>> -> memref<62x80xi32, #tpu.memory_space<hbm>>
      tpu.enqueue_dma source(%dma_start3A_75 : memref<62x80xi32, #tpu.memory_space<hbm>>) target(%dma_start3A_71 : memref<62x80xi32, #tpu.memory_space<vmem>>) target_semaphore(%run_scoped3A_61 : memref<!tpu.dma_semaphore, #tpu.memory_space<semaphore_mem>>)
      %dma_wait3A_76 = arith.constant 0 : i32
      %dma_wait3A_77 = arith.constant 0 : i32
      %dma_wait3A_78 = tpu.memref_slice %arg11[%dma_wait3A_76, %dma_wait3A_77] : memref<63x80xi32, #tpu.memory_space<vmem>> -> memref<62x80xi32, #tpu.memory_space<vmem>>
      %dma_wait3A_79 = arith.constant 63 : i32
      %dma_wait3A_80 = arith.constant 0 : i32
      %dma_wait3A_81 = tpu.memref_slice %arg3[%add3A, %dma_wait3A_79, %dma_wait3A_80] : memref<32x125x80xi32, #tpu.memory_space<hbm>> -> memref<1x62x80xi32, #tpu.memory_space<hbm>>
      %dma_wait3A_82 = tpu.memref_squeeze %dma_wait3A_81 : memref<1x62x80xi32, #tpu.memory_space<hbm>> -> memref<62x80xi32, #tpu.memory_space<hbm>>
      %dma_wait3A_83 = arith.constant 0 : i32
      %dma_wait3A_84 = arith.constant 0 : i32
      %dma_wait3A_85 = tpu.memref_slice %arg11[%dma_wait3A_83, %dma_wait3A_84] : memref<63x80xi32, #tpu.memory_space<vmem>> -> memref<62x80xi32, #tpu.memory_space<vmem>>
      %dma_wait3A_86 = arith.constant 63 : i32
      %dma_wait3A_87 = arith.constant 0 : i32
      %dma_wait3A_88 = tpu.memref_slice %arg3[%add3A, %dma_wait3A_86, %dma_wait3A_87] : memref<32x125x80xi32, #tpu.memory_space<hbm>> -> memref<1x62x80xi32, #tpu.memory_space<hbm>>
      %dma_wait3A_89 = tpu.memref_squeeze %dma_wait3A_88 : memref<1x62x80xi32, #tpu.memory_space<hbm>> -> memref<62x80xi32, #tpu.memory_space<hbm>>
      tpu.wait_dma2 semaphore(%run_scoped3A_61 : memref<!tpu.dma_semaphore, #tpu.memory_space<semaphore_mem>>) src(%dma_wait3A_89 : memref<62x80xi32, #tpu.memory_space<hbm>>) dst(%dma_wait3A_85 : memref<62x80xi32, #tpu.memory_space<vmem>>)
      tpu.yield
    }) : () -> ()
    "tpu.region"() ({
      %run_scoped3A_61 = tpu.sem_alloc : memref<!tpu.dma_semaphore, #tpu.memory_space<semaphore_mem>>
      %dma_start3A_62 = arith.constant 0 : i32
      %dma_start3A_63 = arith.constant 0 : i32
      %dma_start3A_64 = tpu.memref_slice %arg12[%dma_start3A_62, %dma_start3A_63] : memref<63x80xi32, #tpu.memory_space<vmem>> -> memref<62x80xi32, #tpu.memory_space<vmem>>
      %dma_start3A_65 = arith.constant 63 : i32
      %dma_start3A_66 = arith.constant 0 : i32
      %dma_start3A_67 = tpu.memref_slice %arg4[%add3A, %dma_start3A_65, %dma_start3A_66] : memref<32x125x80xi32, #tpu.memory_space<hbm>> -> memref<1x62x80xi32, #tpu.memory_space<hbm>>
      %dma_start3A_68 = tpu.memref_squeeze %dma_start3A_67 : memref<1x62x80xi32, #tpu.memory_space<hbm>> -> memref<62x80xi32, #tpu.memory_space<hbm>>
      %dma_start3A_69 = arith.constant 0 : i32
      %dma_start3A_70 = arith.constant 0 : i32
      %dma_start3A_71 = tpu.memref_slice %arg12[%dma_start3A_69, %dma_start3A_70] : memref<63x80xi32, #tpu.memory_space<vmem>> -> memref<62x80xi32, #tpu.memory_space<vmem>>
      %dma_start3A_72 = arith.constant 63 : i32
      %dma_start3A_73 = arith.constant 0 : i32
      %dma_start3A_74 = tpu.memref_slice %arg4[%add3A, %dma_start3A_72, %dma_start3A_73] : memref<32x125x80xi32, #tpu.memory_space<hbm>> -> memref<1x62x80xi32, #tpu.memory_space<hbm>>
      %dma_start3A_75 = tpu.memref_squeeze %dma_start3A_74 : memref<1x62x80xi32, #tpu.memory_space<hbm>> -> memref<62x80xi32, #tpu.memory_space<hbm>>
      tpu.enqueue_dma source(%dma_start3A_75 : memref<62x80xi32, #tpu.memory_space<hbm>>) target(%dma_start3A_71 : memref<62x80xi32, #tpu.memory_space<vmem>>) target_semaphore(%run_scoped3A_61 : memref<!tpu.dma_semaphore, #tpu.memory_space<semaphore_mem>>)
      %dma_wait3A_76 = arith.constant 0 : i32
      %dma_wait3A_77 = arith.constant 0 : i32
      %dma_wait3A_78 = tpu.memref_slice %arg12[%dma_wait3A_76, %dma_wait3A_77] : memref<63x80xi32, #tpu.memory_space<vmem>> -> memref<62x80xi32, #tpu.memory_space<vmem>>
      %dma_wait3A_79 = arith.constant 63 : i32
      %dma_wait3A_80 = arith.constant 0 : i32
      %dma_wait3A_81 = tpu.memref_slice %arg4[%add3A, %dma_wait3A_79, %dma_wait3A_80] : memref<32x125x80xi32, #tpu.memory_space<hbm>> -> memref<1x62x80xi32, #tpu.memory_space<hbm>>
      %dma_wait3A_82 = tpu.memref_squeeze %dma_wait3A_81 : memref<1x62x80xi32, #tpu.memory_space<hbm>> -> memref<62x80xi32, #tpu.memory_space<hbm>>
      %dma_wait3A_83 = arith.constant 0 : i32
      %dma_wait3A_84 = arith.constant 0 : i32
      %dma_wait3A_85 = tpu.memref_slice %arg12[%dma_wait3A_83, %dma_wait3A_84] : memref<63x80xi32, #tpu.memory_space<vmem>> -> memref<62x80xi32, #tpu.memory_space<vmem>>
      %dma_wait3A_86 = arith.constant 63 : i32
      %dma_wait3A_87 = arith.constant 0 : i32
      %dma_wait3A_88 = tpu.memref_slice %arg4[%add3A, %dma_wait3A_86, %dma_wait3A_87] : memref<32x125x80xi32, #tpu.memory_space<hbm>> -> memref<1x62x80xi32, #tpu.memory_space<hbm>>
      %dma_wait3A_89 = tpu.memref_squeeze %dma_wait3A_88 : memref<1x62x80xi32, #tpu.memory_space<hbm>> -> memref<62x80xi32, #tpu.memory_space<hbm>>
      tpu.wait_dma2 semaphore(%run_scoped3A_61 : memref<!tpu.dma_semaphore, #tpu.memory_space<semaphore_mem>>) src(%dma_wait3A_89 : memref<62x80xi32, #tpu.memory_space<hbm>>) dst(%dma_wait3A_85 : memref<62x80xi32, #tpu.memory_space<vmem>>)
      tpu.yield
    }) : () -> ()
    %dma_start3A_21 = arith.constant 0 : i32
    %dma_start3A_22 = arith.constant 0 : i32
    %dma_start3A_23 = tpu.memref_slice %arg11[%dma_start3A_21, %dma_start3A_22] : memref<63x80xi32, #tpu.memory_space<vmem>> -> memref<1x80xi32, #tpu.memory_space<vmem>>
    %dma_start3A_24 = tpu.memref_squeeze %dma_start3A_23 : memref<1x80xi32, #tpu.memory_space<vmem>> -> memref<80xi32, #tpu.memory_space<vmem>>
    %dma_start3A_25 = arith.constant 0 : i32
    %dma_start3A_26 = arith.constant 0 : i32
    %dma_start3A_27 = tpu.memref_slice %arg2[%dma_start3A_25, %dma_start3A_26] : memref<10000x136xf32, #tpu.memory_space<hbm>> -> memref<10000x136xf32, #tpu.memory_space<hbm>>
    tpu.enqueue_indirect_dma source(%dma_start3A_27 : memref<10000x136xf32, #tpu.memory_space<hbm>>) target(%arg8 : memref<80x136xf32, #tpu.memory_space<vmem>>) offsets(%dma_start3A_24 : memref<80xi32, #tpu.memory_space<vmem>>) semaphore(%arg13 : memref<!tpu.dma_semaphore, #tpu.memory_space<semaphore_mem>>)
    %dma_start3A_28 = arith.constant 1 : i32
    %dma_start3A_29 = arith.constant 0 : i32
    %dma_start3A_30 = tpu.memref_slice %arg11[%dma_start3A_28, %dma_start3A_29] : memref<63x80xi32, #tpu.memory_space<vmem>> -> memref<1x80xi32, #tpu.memory_space<vmem>>
    %dma_start3A_31 = tpu.memref_squeeze %dma_start3A_30 : memref<1x80xi32, #tpu.memory_space<vmem>> -> memref<80xi32, #tpu.memory_space<vmem>>
    %dma_start3A_32 = arith.constant 0 : i32
    %dma_start3A_33 = arith.constant 0 : i32
    %dma_start3A_34 = tpu.memref_slice %arg2[%dma_start3A_32, %dma_start3A_33] : memref<10000x136xf32, #tpu.memory_space<hbm>> -> memref<10000x136xf32, #tpu.memory_space<hbm>>
    tpu.enqueue_indirect_dma source(%dma_start3A_34 : memref<10000x136xf32, #tpu.memory_space<hbm>>) target(%arg9 : memref<80x136xf32, #tpu.memory_space<vmem>>) offsets(%dma_start3A_31 : memref<80xi32, #tpu.memory_space<vmem>>) semaphore(%arg14 : memref<!tpu.dma_semaphore, #tpu.memory_space<semaphore_mem>>)
    %scan3A_35 = arith.constant 0 : i32
    %scan3A_36 = arith.constant 0 : i32
    %scan3A_37 = arith.constant 20 : i32
    %scan3A_38 = arith.addi %scan3A_36, %scan3A_37 : i32
    %scan3A_39 = arith.constant 1 : i32
    scf.for %scan3A_61 = %scan3A_36 to %scan3A_38 step %scan3A_39  : i32 {
      %mul3A_62 = arith.constant 3 : i32
      %mul3A_63 = arith.muli %mul3A_62, %scan3A_61 : i32
      %add3A_64 = arith.constant 2 : i32
      %add3A_65 = arith.addi %mul3A_63, %add3A_64 : i32
      %dma_start3A_66 = arith.constant 0 : i32
      %dma_start3A_67 = tpu.memref_slice %arg11[%add3A_65, %dma_start3A_66] : memref<63x80xi32, #tpu.memory_space<vmem>> -> memref<1x80xi32, #tpu.memory_space<vmem>>
      %dma_start3A_68 = tpu.memref_squeeze %dma_start3A_67 : memref<1x80xi32, #tpu.memory_space<vmem>> -> memref<80xi32, #tpu.memory_space<vmem>>
      %dma_start3A_69 = arith.constant 0 : i32
      %dma_start3A_70 = arith.constant 0 : i32
      %dma_start3A_71 = tpu.memref_slice %arg2[%dma_start3A_69, %dma_start3A_70] : memref<10000x136xf32, #tpu.memory_space<hbm>> -> memref<10000x136xf32, #tpu.memory_space<hbm>>
      tpu.enqueue_indirect_dma source(%dma_start3A_71 : memref<10000x136xf32, #tpu.memory_space<hbm>>) target(%arg10 : memref<80x136xf32, #tpu.memory_space<vmem>>) offsets(%dma_start3A_68 : memref<80xi32, #tpu.memory_space<vmem>>) semaphore(%arg15 : memref<!tpu.dma_semaphore, #tpu.memory_space<semaphore_mem>>)
      %add3A_72 = arith.constant 0 : i32
      %add3A_73 = arith.addi %mul3A_63, %add3A_72 : i32
      %dma_wait3A_74 = arith.constant 0 : i32
      %dma_wait3A_75 = tpu.memref_slice %arg11[%add3A_73, %dma_wait3A_74] : memref<63x80xi32, #tpu.memory_space<vmem>> -> memref<1x80xi32, #tpu.memory_space<vmem>>
      %dma_wait3A_76 = tpu.memref_squeeze %dma_wait3A_75 : memref<1x80xi32, #tpu.memory_space<vmem>> -> memref<80xi32, #tpu.memory_space<vmem>>
      %dma_wait3A_77 = arith.constant 0 : i32
      %dma_wait3A_78 = arith.constant 0 : i32
      %dma_wait3A_79 = tpu.memref_slice %arg2[%dma_wait3A_77, %dma_wait3A_78] : memref<10000x136xf32, #tpu.memory_space<hbm>> -> memref<10000x136xf32, #tpu.memory_space<hbm>>
      tpu.wait_indirect_dma semaphore(%arg13 : memref<!tpu.dma_semaphore, #tpu.memory_space<semaphore_mem>>) src(%dma_wait3A_79 : memref<10000x136xf32, #tpu.memory_space<hbm>>) dst(%arg8 : memref<80x136xf32, #tpu.memory_space<vmem>>)
      "tpu.region"() ({
        %run_scoped3A_107 = tpu.sem_alloc : memref<!tpu.dma_semaphore, #tpu.memory_space<semaphore_mem>>
        %dma_start3A_108 = arith.constant 0 : i32
        %dma_start3A_109 = tpu.memref_slice %arg12[%add3A_73, %dma_start3A_108] : memref<63x80xi32, #tpu.memory_space<vmem>> -> memref<1x80xi32, #tpu.memory_space<vmem>>
        %dma_start3A_110 = tpu.memref_squeeze %dma_start3A_109 : memref<1x80xi32, #tpu.memory_space<vmem>> -> memref<80xi32, #tpu.memory_space<vmem>>
        %dma_start3A_111 = arith.constant 0 : i32
        %dma_start3A_112 = arith.constant 0 : i32
        %dma_start3A_113 = tpu.memref_slice %arg7[%dma_start3A_111, %dma_start3A_112] : memref<10000x136xf32, #tpu.memory_space<vmem_shared>> -> memref<10000x136xf32, #tpu.memory_space<vmem_shared>>
        tpu.enqueue_indirect_dma source(%arg8 : memref<80x136xf32, #tpu.memory_space<vmem>>) target(%dma_start3A_113 : memref<10000x136xf32, #tpu.memory_space<vmem_shared>>) offsets(%dma_start3A_110 : memref<80xi32, #tpu.memory_space<vmem>>) semaphore(%run_scoped3A_107 : memref<!tpu.dma_semaphore, #tpu.memory_space<semaphore_mem>>) {add = true}
        %dma_wait3A_114 = arith.constant 0 : i32
        %dma_wait3A_115 = tpu.memref_slice %arg12[%add3A_73, %dma_wait3A_114] : memref<63x80xi32, #tpu.memory_space<vmem>> -> memref<1x80xi32, #tpu.memory_space<vmem>>
        %dma_wait3A_116 = tpu.memref_squeeze %dma_wait3A_115 : memref<1x80xi32, #tpu.memory_space<vmem>> -> memref<80xi32, #tpu.memory_space<vmem>>
        %dma_wait3A_117 = arith.constant 0 : i32
        %dma_wait3A_118 = arith.constant 0 : i32
        %dma_wait3A_119 = tpu.memref_slice %arg7[%dma_wait3A_117, %dma_wait3A_118] : memref<10000x136xf32, #tpu.memory_space<vmem_shared>> -> memref<10000x136xf32, #tpu.memory_space<vmem_shared>>
        tpu.wait_indirect_dma semaphore(%run_scoped3A_107 : memref<!tpu.dma_semaphore, #tpu.memory_space<semaphore_mem>>) src(%arg8 : memref<80x136xf32, #tpu.memory_space<vmem>>) dst(%dma_wait3A_119 : memref<10000x136xf32, #tpu.memory_space<vmem_shared>>)
        tpu.yield
      }) : () -> ()
      %add3A_80 = arith.constant 3 : i32
      %add3A_81 = arith.addi %add3A_73, %add3A_80 : i32
      %lt3A = arith.constant 62 : i32
      %lt3A_82 = arith.cmpi slt, %add3A_81, %lt3A : i32
      %convert_element_type3A = arith.extui %lt3A_82 : i1 to i32
      %cond3A = arith.constant 0 : i32
      %cond3A_83 = arith.cmpi ne, %convert_element_type3A, %cond3A : i32
      scf.if %cond3A_83 {
        %add3A_107 = arith.constant 3 : i32
        %add3A_108 = arith.addi %add3A_73, %add3A_107 : i32
        %dma_start3A_109 = arith.constant 0 : i32
        %dma_start3A_110 = tpu.memref_slice %arg11[%add3A_108, %dma_start3A_109] : memref<63x80xi32, #tpu.memory_space<vmem>> -> memref<1x80xi32, #tpu.memory_space<vmem>>
        %dma_start3A_111 = tpu.memref_squeeze %dma_start3A_110 : memref<1x80xi32, #tpu.memory_space<vmem>> -> memref<80xi32, #tpu.memory_space<vmem>>
        %dma_start3A_112 = arith.constant 0 : i32
        %dma_start3A_113 = arith.constant 0 : i32
        %dma_start3A_114 = tpu.memref_slice %arg2[%dma_start3A_112, %dma_start3A_113] : memref<10000x136xf32, #tpu.memory_space<hbm>> -> memref<10000x136xf32, #tpu.memory_space<hbm>>
        tpu.enqueue_indirect_dma source(%dma_start3A_114 : memref<10000x136xf32, #tpu.memory_space<hbm>>) target(%arg8 : memref<80x136xf32, #tpu.memory_space<vmem>>) offsets(%dma_start3A_111 : memref<80xi32, #tpu.memory_space<vmem>>) semaphore(%arg13 : memref<!tpu.dma_semaphore, #tpu.memory_space<semaphore_mem>>)
      } else {
      }
      %add3A_84 = arith.constant 1 : i32
      %add3A_85 = arith.addi %mul3A_63, %add3A_84 : i32
      %dma_wait3A_86 = arith.constant 0 : i32
      %dma_wait3A_87 = tpu.memref_slice %arg11[%add3A_85, %dma_wait3A_86] : memref<63x80xi32, #tpu.memory_space<vmem>> -> memref<1x80xi32, #tpu.memory_space<vmem>>
      %dma_wait3A_88 = tpu.memref_squeeze %dma_wait3A_87 : memref<1x80xi32, #tpu.memory_space<vmem>> -> memref<80xi32, #tpu.memory_space<vmem>>
      %dma_wait3A_89 = arith.constant 0 : i32
      %dma_wait3A_90 = arith.constant 0 : i32
      %dma_wait3A_91 = tpu.memref_slice %arg2[%dma_wait3A_89, %dma_wait3A_90] : memref<10000x136xf32, #tpu.memory_space<hbm>> -> memref<10000x136xf32, #tpu.memory_space<hbm>>
      tpu.wait_indirect_dma semaphore(%arg14 : memref<!tpu.dma_semaphore, #tpu.memory_space<semaphore_mem>>) src(%dma_wait3A_91 : memref<10000x136xf32, #tpu.memory_space<hbm>>) dst(%arg9 : memref<80x136xf32, #tpu.memory_space<vmem>>)
      "tpu.region"() ({
        %run_scoped3A_107 = tpu.sem_alloc : memref<!tpu.dma_semaphore, #tpu.memory_space<semaphore_mem>>
        %dma_start3A_108 = arith.constant 0 : i32
        %dma_start3A_109 = tpu.memref_slice %arg12[%add3A_85, %dma_start3A_108] : memref<63x80xi32, #tpu.memory_space<vmem>> -> memref<1x80xi32, #tpu.memory_space<vmem>>
        %dma_start3A_110 = tpu.memref_squeeze %dma_start3A_109 : memref<1x80xi32, #tpu.memory_space<vmem>> -> memref<80xi32, #tpu.memory_space<vmem>>
        %dma_start3A_111 = arith.constant 0 : i32
        %dma_start3A_112 = arith.constant 0 : i32
        %dma_start3A_113 = tpu.memref_slice %arg7[%dma_start3A_111, %dma_start3A_112] : memref<10000x136xf32, #tpu.memory_space<vmem_shared>> -> memref<10000x136xf32, #tpu.memory_space<vmem_shared>>
        tpu.enqueue_indirect_dma source(%arg9 : memref<80x136xf32, #tpu.memory_space<vmem>>) target(%dma_start3A_113 : memref<10000x136xf32, #tpu.memory_space<vmem_shared>>) offsets(%dma_start3A_110 : memref<80xi32, #tpu.memory_space<vmem>>) semaphore(%run_scoped3A_107 : memref<!tpu.dma_semaphore, #tpu.memory_space<semaphore_mem>>) {add = true}
        %dma_wait3A_114 = arith.constant 0 : i32
        %dma_wait3A_115 = tpu.memref_slice %arg12[%add3A_85, %dma_wait3A_114] : memref<63x80xi32, #tpu.memory_space<vmem>> -> memref<1x80xi32, #tpu.memory_space<vmem>>
        %dma_wait3A_116 = tpu.memref_squeeze %dma_wait3A_115 : memref<1x80xi32, #tpu.memory_space<vmem>> -> memref<80xi32, #tpu.memory_space<vmem>>
        %dma_wait3A_117 = arith.constant 0 : i32
        %dma_wait3A_118 = arith.constant 0 : i32
        %dma_wait3A_119 = tpu.memref_slice %arg7[%dma_wait3A_117, %dma_wait3A_118] : memref<10000x136xf32, #tpu.memory_space<vmem_shared>> -> memref<10000x136xf32, #tpu.memory_space<vmem_shared>>
        tpu.wait_indirect_dma semaphore(%run_scoped3A_107 : memref<!tpu.dma_semaphore, #tpu.memory_space<semaphore_mem>>) src(%arg9 : memref<80x136xf32, #tpu.memory_space<vmem>>) dst(%dma_wait3A_119 : memref<10000x136xf32, #tpu.memory_space<vmem_shared>>)
        tpu.yield
      }) : () -> ()
      %add3A_92 = arith.constant 3 : i32
      %add3A_93 = arith.addi %add3A_85, %add3A_92 : i32
      %lt3A_94 = arith.constant 62 : i32
      %lt3A_95 = arith.cmpi slt, %add3A_93, %lt3A_94 : i32
      %convert_element_type3A_96 = arith.extui %lt3A_95 : i1 to i32
      %cond3A_97 = arith.constant 0 : i32
      %cond3A_98 = arith.cmpi ne, %convert_element_type3A_96, %cond3A_97 : i32
      scf.if %cond3A_98 {
        %add3A_107 = arith.constant 3 : i32
        %add3A_108 = arith.addi %add3A_85, %add3A_107 : i32
        %dma_start3A_109 = arith.constant 0 : i32
        %dma_start3A_110 = tpu.memref_slice %arg11[%add3A_108, %dma_start3A_109] : memref<63x80xi32, #tpu.memory_space<vmem>> -> memref<1x80xi32, #tpu.memory_space<vmem>>
        %dma_start3A_111 = tpu.memref_squeeze %dma_start3A_110 : memref<1x80xi32, #tpu.memory_space<vmem>> -> memref<80xi32, #tpu.memory_space<vmem>>
        %dma_start3A_112 = arith.constant 0 : i32
        %dma_start3A_113 = arith.constant 0 : i32
        %dma_start3A_114 = tpu.memref_slice %arg2[%dma_start3A_112, %dma_start3A_113] : memref<10000x136xf32, #tpu.memory_space<hbm>> -> memref<10000x136xf32, #tpu.memory_space<hbm>>
        tpu.enqueue_indirect_dma source(%dma_start3A_114 : memref<10000x136xf32, #tpu.memory_space<hbm>>) target(%arg9 : memref<80x136xf32, #tpu.memory_space<vmem>>) offsets(%dma_start3A_111 : memref<80xi32, #tpu.memory_space<vmem>>) semaphore(%arg14 : memref<!tpu.dma_semaphore, #tpu.memory_space<semaphore_mem>>)
      } else {
      }
      %add3A_99 = arith.constant 2 : i32
      %add3A_100 = arith.addi %mul3A_63, %add3A_99 : i32
      %dma_wait3A_101 = arith.constant 0 : i32
      %dma_wait3A_102 = tpu.memref_slice %arg11[%add3A_100, %dma_wait3A_101] : memref<63x80xi32, #tpu.memory_space<vmem>> -> memref<1x80xi32, #tpu.memory_space<vmem>>
      %dma_wait3A_103 = tpu.memref_squeeze %dma_wait3A_102 : memref<1x80xi32, #tpu.memory_space<vmem>> -> memref<80xi32, #tpu.memory_space<vmem>>
      %dma_wait3A_104 = arith.constant 0 : i32
      %dma_wait3A_105 = arith.constant 0 : i32
      %dma_wait3A_106 = tpu.memref_slice %arg2[%dma_wait3A_104, %dma_wait3A_105] : memref<10000x136xf32, #tpu.memory_space<hbm>> -> memref<10000x136xf32, #tpu.memory_space<hbm>>
      tpu.wait_indirect_dma semaphore(%arg15 : memref<!tpu.dma_semaphore, #tpu.memory_space<semaphore_mem>>) src(%dma_wait3A_106 : memref<10000x136xf32, #tpu.memory_space<hbm>>) dst(%arg10 : memref<80x136xf32, #tpu.memory_space<vmem>>)
      "tpu.region"() ({
        %run_scoped3A_107 = tpu.sem_alloc : memref<!tpu.dma_semaphore, #tpu.memory_space<semaphore_mem>>
        %dma_start3A_108 = arith.constant 0 : i32
        %dma_start3A_109 = tpu.memref_slice %arg12[%add3A_100, %dma_start3A_108] : memref<63x80xi32, #tpu.memory_space<vmem>> -> memref<1x80xi32, #tpu.memory_space<vmem>>
        %dma_start3A_110 = tpu.memref_squeeze %dma_start3A_109 : memref<1x80xi32, #tpu.memory_space<vmem>> -> memref<80xi32, #tpu.memory_space<vmem>>
        %dma_start3A_111 = arith.constant 0 : i32
        %dma_start3A_112 = arith.constant 0 : i32
        %dma_start3A_113 = tpu.memref_slice %arg7[%dma_start3A_111, %dma_start3A_112] : memref<10000x136xf32, #tpu.memory_space<vmem_shared>> -> memref<10000x136xf32, #tpu.memory_space<vmem_shared>>
        tpu.enqueue_indirect_dma source(%arg10 : memref<80x136xf32, #tpu.memory_space<vmem>>) target(%dma_start3A_113 : memref<10000x136xf32, #tpu.memory_space<vmem_shared>>) offsets(%dma_start3A_110 : memref<80xi32, #tpu.memory_space<vmem>>) semaphore(%run_scoped3A_107 : memref<!tpu.dma_semaphore, #tpu.memory_space<semaphore_mem>>) {add = true}
        %dma_wait3A_114 = arith.constant 0 : i32
        %dma_wait3A_115 = tpu.memref_slice %arg12[%add3A_100, %dma_wait3A_114] : memref<63x80xi32, #tpu.memory_space<vmem>> -> memref<1x80xi32, #tpu.memory_space<vmem>>
        %dma_wait3A_116 = tpu.memref_squeeze %dma_wait3A_115 : memref<1x80xi32, #tpu.memory_space<vmem>> -> memref<80xi32, #tpu.memory_space<vmem>>
        %dma_wait3A_117 = arith.constant 0 : i32
        %dma_wait3A_118 = arith.constant 0 : i32
        %dma_wait3A_119 = tpu.memref_slice %arg7[%dma_wait3A_117, %dma_wait3A_118] : memref<10000x136xf32, #tpu.memory_space<vmem_shared>> -> memref<10000x136xf32, #tpu.memory_space<vmem_shared>>
        tpu.wait_indirect_dma semaphore(%run_scoped3A_107 : memref<!tpu.dma_semaphore, #tpu.memory_space<semaphore_mem>>) src(%arg10 : memref<80x136xf32, #tpu.memory_space<vmem>>) dst(%dma_wait3A_119 : memref<10000x136xf32, #tpu.memory_space<vmem_shared>>)
        tpu.yield
      }) : () -> ()
    }
    %scan3A_40 = arith.constant 20 : i32
    %dma_wait3A = arith.constant 60 : i32
    %dma_wait3A_41 = arith.constant 0 : i32
    %dma_wait3A_42 = tpu.memref_slice %arg11[%dma_wait3A, %dma_wait3A_41] : memref<63x80xi32, #tpu.memory_space<vmem>> -> memref<1x80xi32, #tpu.memory_space<vmem>>
    %dma_wait3A_43 = tpu.memref_squeeze %dma_wait3A_42 : memref<1x80xi32, #tpu.memory_space<vmem>> -> memref<80xi32, #tpu.memory_space<vmem>>
    %dma_wait3A_44 = arith.constant 0 : i32
    %dma_wait3A_45 = arith.constant 0 : i32
    %dma_wait3A_46 = tpu.memref_slice %arg2[%dma_wait3A_44, %dma_wait3A_45] : memref<10000x136xf32, #tpu.memory_space<hbm>> -> memref<10000x136xf32, #tpu.memory_space<hbm>>
    tpu.wait_indirect_dma semaphore(%arg13 : memref<!tpu.dma_semaphore, #tpu.memory_space<semaphore_mem>>) src(%dma_wait3A_46 : memref<10000x136xf32, #tpu.memory_space<hbm>>) dst(%arg8 : memref<80x136xf32, #tpu.memory_space<vmem>>)
    %run_scoped3A = arith.constant 60 : i32
    "tpu.region"() ({
      %run_scoped3A_61 = tpu.sem_alloc : memref<!tpu.dma_semaphore, #tpu.memory_space<semaphore_mem>>
      %dma_start3A_62 = arith.constant 0 : i32
      %dma_start3A_63 = tpu.memref_slice %arg12[%run_scoped3A, %dma_start3A_62] : memref<63x80xi32, #tpu.memory_space<vmem>> -> memref<1x80xi32, #tpu.memory_space<vmem>>
      %dma_start3A_64 = tpu.memref_squeeze %dma_start3A_63 : memref<1x80xi32, #tpu.memory_space<vmem>> -> memref<80xi32, #tpu.memory_space<vmem>>
      %dma_start3A_65 = arith.constant 0 : i32
      %dma_start3A_66 = arith.constant 0 : i32
      %dma_start3A_67 = tpu.memref_slice %arg7[%dma_start3A_65, %dma_start3A_66] : memref<10000x136xf32, #tpu.memory_space<vmem_shared>> -> memref<10000x136xf32, #tpu.memory_space<vmem_shared>>
      tpu.enqueue_indirect_dma source(%arg8 : memref<80x136xf32, #tpu.memory_space<vmem>>) target(%dma_start3A_67 : memref<10000x136xf32, #tpu.memory_space<vmem_shared>>) offsets(%dma_start3A_64 : memref<80xi32, #tpu.memory_space<vmem>>) semaphore(%run_scoped3A_61 : memref<!tpu.dma_semaphore, #tpu.memory_space<semaphore_mem>>) {add = true}
      %dma_wait3A_68 = arith.constant 0 : i32
      %dma_wait3A_69 = tpu.memref_slice %arg12[%run_scoped3A, %dma_wait3A_68] : memref<63x80xi32, #tpu.memory_space<vmem>> -> memref<1x80xi32, #tpu.memory_space<vmem>>
      %dma_wait3A_70 = tpu.memref_squeeze %dma_wait3A_69 : memref<1x80xi32, #tpu.memory_space<vmem>> -> memref<80xi32, #tpu.memory_space<vmem>>
      %dma_wait3A_71 = arith.constant 0 : i32
      %dma_wait3A_72 = arith.constant 0 : i32
      %dma_wait3A_73 = tpu.memref_slice %arg7[%dma_wait3A_71, %dma_wait3A_72] : memref<10000x136xf32, #tpu.memory_space<vmem_shared>> -> memref<10000x136xf32, #tpu.memory_space<vmem_shared>>
      tpu.wait_indirect_dma semaphore(%run_scoped3A_61 : memref<!tpu.dma_semaphore, #tpu.memory_space<semaphore_mem>>) src(%arg8 : memref<80x136xf32, #tpu.memory_space<vmem>>) dst(%dma_wait3A_73 : memref<10000x136xf32, #tpu.memory_space<vmem_shared>>)
      tpu.yield
    }) : () -> ()
    %dma_wait3A_47 = arith.constant 61 : i32
    %dma_wait3A_48 = arith.constant 0 : i32
    %dma_wait3A_49 = tpu.memref_slice %arg11[%dma_wait3A_47, %dma_wait3A_48] : memref<63x80xi32, #tpu.memory_space<vmem>> -> memref<1x80xi32, #tpu.memory_space<vmem>>
    %dma_wait3A_50 = tpu.memref_squeeze %dma_wait3A_49 : memref<1x80xi32, #tpu.memory_space<vmem>> -> memref<80xi32, #tpu.memory_space<vmem>>
    %dma_wait3A_51 = arith.constant 0 : i32
    %dma_wait3A_52 = arith.constant 0 : i32
    %dma_wait3A_53 = tpu.memref_slice %arg2[%dma_wait3A_51, %dma_wait3A_52] : memref<10000x136xf32, #tpu.memory_space<hbm>> -> memref<10000x136xf32, #tpu.memory_space<hbm>>
    tpu.wait_indirect_dma semaphore(%arg14 : memref<!tpu.dma_semaphore, #tpu.memory_space<semaphore_mem>>) src(%dma_wait3A_53 : memref<10000x136xf32, #tpu.memory_space<hbm>>) dst(%arg9 : memref<80x136xf32, #tpu.memory_space<vmem>>)
    %run_scoped3A_54 = arith.constant 61 : i32
    "tpu.region"() ({
      %run_scoped3A_61 = tpu.sem_alloc : memref<!tpu.dma_semaphore, #tpu.memory_space<semaphore_mem>>
      %dma_start3A_62 = arith.constant 0 : i32
      %dma_start3A_63 = tpu.memref_slice %arg12[%run_scoped3A_54, %dma_start3A_62] : memref<63x80xi32, #tpu.memory_space<vmem>> -> memref<1x80xi32, #tpu.memory_space<vmem>>
      %dma_start3A_64 = tpu.memref_squeeze %dma_start3A_63 : memref<1x80xi32, #tpu.memory_space<vmem>> -> memref<80xi32, #tpu.memory_space<vmem>>
      %dma_start3A_65 = arith.constant 0 : i32
      %dma_start3A_66 = arith.constant 0 : i32
      %dma_start3A_67 = tpu.memref_slice %arg7[%dma_start3A_65, %dma_start3A_66] : memref<10000x136xf32, #tpu.memory_space<vmem_shared>> -> memref<10000x136xf32, #tpu.memory_space<vmem_shared>>
      tpu.enqueue_indirect_dma source(%arg9 : memref<80x136xf32, #tpu.memory_space<vmem>>) target(%dma_start3A_67 : memref<10000x136xf32, #tpu.memory_space<vmem_shared>>) offsets(%dma_start3A_64 : memref<80xi32, #tpu.memory_space<vmem>>) semaphore(%run_scoped3A_61 : memref<!tpu.dma_semaphore, #tpu.memory_space<semaphore_mem>>) {add = true}
      %dma_wait3A_68 = arith.constant 0 : i32
      %dma_wait3A_69 = tpu.memref_slice %arg12[%run_scoped3A_54, %dma_wait3A_68] : memref<63x80xi32, #tpu.memory_space<vmem>> -> memref<1x80xi32, #tpu.memory_space<vmem>>
      %dma_wait3A_70 = tpu.memref_squeeze %dma_wait3A_69 : memref<1x80xi32, #tpu.memory_space<vmem>> -> memref<80xi32, #tpu.memory_space<vmem>>
      %dma_wait3A_71 = arith.constant 0 : i32
      %dma_wait3A_72 = arith.constant 0 : i32
      %dma_wait3A_73 = tpu.memref_slice %arg7[%dma_wait3A_71, %dma_wait3A_72] : memref<10000x136xf32, #tpu.memory_space<vmem_shared>> -> memref<10000x136xf32, #tpu.memory_space<vmem_shared>>
      tpu.wait_indirect_dma semaphore(%run_scoped3A_61 : memref<!tpu.dma_semaphore, #tpu.memory_space<semaphore_mem>>) src(%arg9 : memref<80x136xf32, #tpu.memory_space<vmem>>) dst(%dma_wait3A_73 : memref<10000x136xf32, #tpu.memory_space<vmem_shared>>)
      tpu.yield
    }) : () -> ()
    %barrier3A_55 = arith.constant 0 : index
    tpu.barrier barrier_id(%barrier3A_55)
    %mul3A_56 = arith.constant 625 : i32
    %mul3A_57 = arith.muli %arg1, %mul3A_56 : i32
    %mul3A_58 = arith.constant 10000 : i32
    %mul3A_59 = arith.muli %arg0, %mul3A_58 : i32
    %add3A_60 = arith.addi %mul3A_59, %mul3A_57 : i32
    "tpu.region"() ({
      %run_scoped3A_61 = tpu.sem_alloc : memref<!tpu.dma_semaphore, #tpu.memory_space<semaphore_mem>>
      %dma_start3A_62 = arith.constant 0 : i32
      %dma_start3A_63 = tpu.memref_slice %arg6[%add3A_60, %dma_start3A_62] : memref<20000x136xf32, #tpu.memory_space<hbm>> -> memref<625x136xf32, #tpu.memory_space<hbm>>
      %dma_start3A_64 = arith.constant 0 : i32
      %dma_start3A_65 = tpu.memref_slice %arg7[%mul3A_57, %dma_start3A_64] : memref<10000x136xf32, #tpu.memory_space<vmem_shared>> -> memref<625x136xf32, #tpu.memory_space<vmem_shared>>
      tpu.enqueue_dma source(%dma_start3A_65 : memref<625x136xf32, #tpu.memory_space<vmem_shared>>) target(%dma_start3A_63 : memref<625x136xf32, #tpu.memory_space<hbm>>) target_semaphore(%run_scoped3A_61 : memref<!tpu.dma_semaphore, #tpu.memory_space<semaphore_mem>>)
      %dma_wait3A_66 = arith.constant 0 : i32
      %dma_wait3A_67 = tpu.memref_slice %arg6[%add3A_60, %dma_wait3A_66] : memref<20000x136xf32, #tpu.memory_space<hbm>> -> memref<625x136xf32, #tpu.memory_space<hbm>>
      %dma_wait3A_68 = arith.constant 0 : i32
      %dma_wait3A_69 = tpu.memref_slice %arg7[%mul3A_57, %dma_wait3A_68] : memref<10000x136xf32, #tpu.memory_space<vmem_shared>> -> memref<625x136xf32, #tpu.memory_space<vmem_shared>>
      tpu.wait_dma2 semaphore(%run_scoped3A_61 : memref<!tpu.dma_semaphore, #tpu.memory_space<semaphore_mem>>) src(%dma_wait3A_69 : memref<625x136xf32, #tpu.memory_space<vmem_shared>>) dst(%dma_wait3A_67 : memref<625x136xf32, #tpu.memory_space<hbm>>)
      tpu.yield
    }) : () -> ()
    return
  }
}

#map = affine_map<(d0, d1) -> (0, 0)>
#map1 = affine_map<(d0, d1) -> (0, 0, 0)>
module attributes {stable_mosaic.version = 14 : i64} {
  func.func @_sc_scatter_pass(%arg0: i32, %arg1: i32, %arg2: memref<10000x136xf32, #tpu.memory_space<hbm>>, %arg3: memref<32x125x80xi32, #tpu.memory_space<hbm>>, %arg4: memref<32x125x80xi32, #tpu.memory_space<hbm>>, %arg5: memref<625x136xf32, #tpu.memory_space<hbm>>, %arg6: memref<20000x136xf32, #tpu.memory_space<hbm>>, %arg7: memref<10000x136xf32, #tpu.memory_space<vmem_shared>>, %arg8: memref<80x136xf32, #tpu.memory_space<vmem>>, %arg9: memref<80x136xf32, #tpu.memory_space<vmem>>, %arg10: memref<80x136xf32, #tpu.memory_space<vmem>>, %arg11: memref<63x80xi32, #tpu.memory_space<vmem>>, %arg12: memref<63x80xi32, #tpu.memory_space<vmem>>, %arg13: memref<!tpu.dma_semaphore, #tpu.memory_space<semaphore_mem>>, %arg14: memref<!tpu.dma_semaphore, #tpu.memory_space<semaphore_mem>>, %arg15: memref<!tpu.dma_semaphore, #tpu.memory_space<semaphore_mem>>) attributes {dimension_semantics = [#tpu.dimension_semantics<core_parallel>, #tpu.dimension_semantics<subcore_parallel>], iteration_bounds = array<i64: 2, 16>, scalar_prefetch = 0 : i64, scratch_operands = 9 : i64, tpu.core_type = #tpu.core_type<sc_vector_subcore>, window_params = [{transform_indices = #map}, {transform_indices = #map1}, {transform_indices = #map1}, {transform_indices = #map}, {transform_indices = #map}]} {
    %mul3A = arith.constant 16 : i32
    %mul3A_0 = arith.muli %arg0, %mul3A : i32
    %add3A = arith.addi %mul3A_0, %arg1 : i32
    %mul3A_1 = arith.constant 625 : i32
    %mul3A_2 = arith.muli %arg1, %mul3A_1 : i32
    "tpu.region"() ({
      %run_scoped3A_61 = tpu.sem_alloc : memref<!tpu.dma_semaphore, #tpu.memory_space<semaphore_mem>>
      %dma_start3A_62 = arith.constant 0 : i32
      %dma_start3A_63 = tpu.memref_slice %arg7[%mul3A_2, %dma_start3A_62] : memref<10000x136xf32, #tpu.memory_space<vmem_shared>> -> memref<625x136xf32, #tpu.memory_space<vmem_shared>>
      tpu.enqueue_dma source(%arg5 : memref<625x136xf32, #tpu.memory_space<hbm>>) target(%dma_start3A_63 : memref<625x136xf32, #tpu.memory_space<vmem_shared>>) target_semaphore(%run_scoped3A_61 : memref<!tpu.dma_semaphore, #tpu.memory_space<semaphore_mem>>)
      %dma_wait3A_64 = arith.constant 0 : i32
      %dma_wait3A_65 = tpu.memref_slice %arg7[%mul3A_2, %dma_wait3A_64] : memref<10000x136xf32, #tpu.memory_space<vmem_shared>> -> memref<625x136xf32, #tpu.memory_space<vmem_shared>>
      tpu.wait_dma2 semaphore(%run_scoped3A_61 : memref<!tpu.dma_semaphore, #tpu.memory_space<semaphore_mem>>) src(%arg5 : memref<625x136xf32, #tpu.memory_space<hbm>>) dst(%dma_wait3A_65 : memref<625x136xf32, #tpu.memory_space<vmem_shared>>)
      tpu.yield
    }) : () -> ()
    "tpu.region"() ({
      %run_scoped3A_61 = tpu.sem_alloc : memref<!tpu.dma_semaphore, #tpu.memory_space<semaphore_mem>>
      %dma_start3A_62 = arith.constant 0 : i32
      %dma_start3A_63 = arith.constant 0 : i32
      %dma_start3A_64 = tpu.memref_slice %arg3[%add3A, %dma_start3A_62, %dma_start3A_63] : memref<32x125x80xi32, #tpu.memory_space<hbm>> -> memref<1x63x80xi32, #tpu.memory_space<hbm>>
      %dma_start3A_65 = tpu.memref_squeeze %dma_start3A_64 : memref<1x63x80xi32, #tpu.memory_space<hbm>> -> memref<63x80xi32, #tpu.memory_space<hbm>>
      %dma_start3A_66 = arith.constant 0 : i32
      %dma_start3A_67 = arith.constant 0 : i32
      %dma_start3A_68 = tpu.memref_slice %arg3[%add3A, %dma_start3A_66, %dma_start3A_67] : memref<32x125x80xi32, #tpu.memory_space<hbm>> -> memref<1x63x80xi32, #tpu.memory_space<hbm>>
      %dma_start3A_69 = tpu.memref_squeeze %dma_start3A_68 : memref<1x63x80xi32, #tpu.memory_space<hbm>> -> memref<63x80xi32, #tpu.memory_space<hbm>>
      tpu.enqueue_dma source(%dma_start3A_69 : memref<63x80xi32, #tpu.memory_space<hbm>>) target(%arg11 : memref<63x80xi32, #tpu.memory_space<vmem>>) target_semaphore(%run_scoped3A_61 : memref<!tpu.dma_semaphore, #tpu.memory_space<semaphore_mem>>)
      %dma_wait3A_70 = arith.constant 0 : i32
      %dma_wait3A_71 = arith.constant 0 : i32
      %dma_wait3A_72 = tpu.memref_slice %arg3[%add3A, %dma_wait3A_70, %dma_wait3A_71] : memref<32x125x80xi32, #tpu.memory_space<hbm>> -> memref<1x63x80xi32, #tpu.memory_space<hbm>>
      %dma_wait3A_73 = tpu.memref_squeeze %dma_wait3A_72 : memref<1x63x80xi32, #tpu.memory_space<hbm>> -> memref<63x80xi32, #tpu.memory_space<hbm>>
      %dma_wait3A_74 = arith.constant 0 : i32
      %dma_wait3A_75 = arith.constant 0 : i32
      %dma_wait3A_76 = tpu.memref_slice %arg3[%add3A, %dma_wait3A_74, %dma_wait3A_75] : memref<32x125x80xi32, #tpu.memory_space<hbm>> -> memref<1x63x80xi32, #tpu.memory_space<hbm>>
      %dma_wait3A_77 = tpu.memref_squeeze %dma_wait3A_76 : memref<1x63x80xi32, #tpu.memory_space<hbm>> -> memref<63x80xi32, #tpu.memory_space<hbm>>
      tpu.wait_dma2 semaphore(%run_scoped3A_61 : memref<!tpu.dma_semaphore, #tpu.memory_space<semaphore_mem>>) src(%dma_wait3A_77 : memref<63x80xi32, #tpu.memory_space<hbm>>) dst(%arg11 : memref<63x80xi32, #tpu.memory_space<vmem>>)
      tpu.yield
    }) : () -> ()
    "tpu.region"() ({
      %run_scoped3A_61 = tpu.sem_alloc : memref<!tpu.dma_semaphore, #tpu.memory_space<semaphore_mem>>
      %dma_start3A_62 = arith.constant 0 : i32
      %dma_start3A_63 = arith.constant 0 : i32
      %dma_start3A_64 = tpu.memref_slice %arg4[%add3A, %dma_start3A_62, %dma_start3A_63] : memref<32x125x80xi32, #tpu.memory_space<hbm>> -> memref<1x63x80xi32, #tpu.memory_space<hbm>>
      %dma_start3A_65 = tpu.memref_squeeze %dma_start3A_64 : memref<1x63x80xi32, #tpu.memory_space<hbm>> -> memref<63x80xi32, #tpu.memory_space<hbm>>
      %dma_start3A_66 = arith.constant 0 : i32
      %dma_start3A_67 = arith.constant 0 : i32
      %dma_start3A_68 = tpu.memref_slice %arg4[%add3A, %dma_start3A_66, %dma_start3A_67] : memref<32x125x80xi32, #tpu.memory_space<hbm>> -> memref<1x63x80xi32, #tpu.memory_space<hbm>>
      %dma_start3A_69 = tpu.memref_squeeze %dma_start3A_68 : memref<1x63x80xi32, #tpu.memory_space<hbm>> -> memref<63x80xi32, #tpu.memory_space<hbm>>
      tpu.enqueue_dma source(%dma_start3A_69 : memref<63x80xi32, #tpu.memory_space<hbm>>) target(%arg12 : memref<63x80xi32, #tpu.memory_space<vmem>>) target_semaphore(%run_scoped3A_61 : memref<!tpu.dma_semaphore, #tpu.memory_space<semaphore_mem>>)
      %dma_wait3A_70 = arith.constant 0 : i32
      %dma_wait3A_71 = arith.constant 0 : i32
      %dma_wait3A_72 = tpu.memref_slice %arg4[%add3A, %dma_wait3A_70, %dma_wait3A_71] : memref<32x125x80xi32, #tpu.memory_space<hbm>> -> memref<1x63x80xi32, #tpu.memory_space<hbm>>
      %dma_wait3A_73 = tpu.memref_squeeze %dma_wait3A_72 : memref<1x63x80xi32, #tpu.memory_space<hbm>> -> memref<63x80xi32, #tpu.memory_space<hbm>>
      %dma_wait3A_74 = arith.constant 0 : i32
      %dma_wait3A_75 = arith.constant 0 : i32
      %dma_wait3A_76 = tpu.memref_slice %arg4[%add3A, %dma_wait3A_74, %dma_wait3A_75] : memref<32x125x80xi32, #tpu.memory_space<hbm>> -> memref<1x63x80xi32, #tpu.memory_space<hbm>>
      %dma_wait3A_77 = tpu.memref_squeeze %dma_wait3A_76 : memref<1x63x80xi32, #tpu.memory_space<hbm>> -> memref<63x80xi32, #tpu.memory_space<hbm>>
      tpu.wait_dma2 semaphore(%run_scoped3A_61 : memref<!tpu.dma_semaphore, #tpu.memory_space<semaphore_mem>>) src(%dma_wait3A_77 : memref<63x80xi32, #tpu.memory_space<hbm>>) dst(%arg12 : memref<63x80xi32, #tpu.memory_space<vmem>>)
      tpu.yield
    }) : () -> ()
    %barrier3A = arith.constant 0 : index
    tpu.barrier barrier_id(%barrier3A)
    %dma_start3A = arith.constant 0 : i32
    %dma_start3A_3 = arith.constant 0 : i32
    %dma_start3A_4 = tpu.memref_slice %arg11[%dma_start3A, %dma_start3A_3] : memref<63x80xi32, #tpu.memory_space<vmem>> -> memref<1x80xi32, #tpu.memory_space<vmem>>
    %dma_start3A_5 = tpu.memref_squeeze %dma_start3A_4 : memref<1x80xi32, #tpu.memory_space<vmem>> -> memref<80xi32, #tpu.memory_space<vmem>>
    %dma_start3A_6 = arith.constant 0 : i32
    %dma_start3A_7 = arith.constant 0 : i32
    %dma_start3A_8 = tpu.memref_slice %arg2[%dma_start3A_6, %dma_start3A_7] : memref<10000x136xf32, #tpu.memory_space<hbm>> -> memref<10000x136xf32, #tpu.memory_space<hbm>>
    tpu.enqueue_indirect_dma source(%dma_start3A_8 : memref<10000x136xf32, #tpu.memory_space<hbm>>) target(%arg8 : memref<80x136xf32, #tpu.memory_space<vmem>>) offsets(%dma_start3A_5 : memref<80xi32, #tpu.memory_space<vmem>>) semaphore(%arg13 : memref<!tpu.dma_semaphore, #tpu.memory_space<semaphore_mem>>)
    %dma_start3A_9 = arith.constant 1 : i32
    %dma_start3A_10 = arith.constant 0 : i32
    %dma_start3A_11 = tpu.memref_slice %arg11[%dma_start3A_9, %dma_start3A_10] : memref<63x80xi32, #tpu.memory_space<vmem>> -> memref<1x80xi32, #tpu.memory_space<vmem>>
    %dma_start3A_12 = tpu.memref_squeeze %dma_start3A_11 : memref<1x80xi32, #tpu.memory_space<vmem>> -> memref<80xi32, #tpu.memory_space<vmem>>
    %dma_start3A_13 = arith.constant 0 : i32
    %dma_start3A_14 = arith.constant 0 : i32
    %dma_start3A_15 = tpu.memref_slice %arg2[%dma_start3A_13, %dma_start3A_14] : memref<10000x136xf32, #tpu.memory_space<hbm>> -> memref<10000x136xf32, #tpu.memory_space<hbm>>
    tpu.enqueue_indirect_dma source(%dma_start3A_15 : memref<10000x136xf32, #tpu.memory_space<hbm>>) target(%arg9 : memref<80x136xf32, #tpu.memory_space<vmem>>) offsets(%dma_start3A_12 : memref<80xi32, #tpu.memory_space<vmem>>) semaphore(%arg14 : memref<!tpu.dma_semaphore, #tpu.memory_space<semaphore_mem>>)
    %scan3A = arith.constant 0 : i32
    %scan3A_16 = arith.constant 0 : i32
    %scan3A_17 = arith.constant 21 : i32
    %scan3A_18 = arith.addi %scan3A_16, %scan3A_17 : i32
    %scan3A_19 = arith.constant 1 : i32
    scf.for %scan3A_61 = %scan3A_16 to %scan3A_18 step %scan3A_19  : i32 {
      %mul3A_62 = arith.constant 3 : i32
      %mul3A_63 = arith.muli %mul3A_62, %scan3A_61 : i32
      %add3A_64 = arith.constant 2 : i32
      %add3A_65 = arith.addi %mul3A_63, %add3A_64 : i32
      %dma_start3A_66 = arith.constant 0 : i32
      %dma_start3A_67 = tpu.memref_slice %arg11[%add3A_65, %dma_start3A_66] : memref<63x80xi32, #tpu.memory_space<vmem>> -> memref<1x80xi32, #tpu.memory_space<vmem>>
      %dma_start3A_68 = tpu.memref_squeeze %dma_start3A_67 : memref<1x80xi32, #tpu.memory_space<vmem>> -> memref<80xi32, #tpu.memory_space<vmem>>
      %dma_start3A_69 = arith.constant 0 : i32
      %dma_start3A_70 = arith.constant 0 : i32
      %dma_start3A_71 = tpu.memref_slice %arg2[%dma_start3A_69, %dma_start3A_70] : memref<10000x136xf32, #tpu.memory_space<hbm>> -> memref<10000x136xf32, #tpu.memory_space<hbm>>
      tpu.enqueue_indirect_dma source(%dma_start3A_71 : memref<10000x136xf32, #tpu.memory_space<hbm>>) target(%arg10 : memref<80x136xf32, #tpu.memory_space<vmem>>) offsets(%dma_start3A_68 : memref<80xi32, #tpu.memory_space<vmem>>) semaphore(%arg15 : memref<!tpu.dma_semaphore, #tpu.memory_space<semaphore_mem>>)
      %add3A_72 = arith.constant 0 : i32
      %add3A_73 = arith.addi %mul3A_63, %add3A_72 : i32
      %dma_wait3A_74 = arith.constant 0 : i32
      %dma_wait3A_75 = tpu.memref_slice %arg11[%add3A_73, %dma_wait3A_74] : memref<63x80xi32, #tpu.memory_space<vmem>> -> memref<1x80xi32, #tpu.memory_space<vmem>>
      %dma_wait3A_76 = tpu.memref_squeeze %dma_wait3A_75 : memref<1x80xi32, #tpu.memory_space<vmem>> -> memref<80xi32, #tpu.memory_space<vmem>>
      %dma_wait3A_77 = arith.constant 0 : i32
      %dma_wait3A_78 = arith.constant 0 : i32
      %dma_wait3A_79 = tpu.memref_slice %arg2[%dma_wait3A_77, %dma_wait3A_78] : memref<10000x136xf32, #tpu.memory_space<hbm>> -> memref<10000x136xf32, #tpu.memory_space<hbm>>
      tpu.wait_indirect_dma semaphore(%arg13 : memref<!tpu.dma_semaphore, #tpu.memory_space<semaphore_mem>>) src(%dma_wait3A_79 : memref<10000x136xf32, #tpu.memory_space<hbm>>) dst(%arg8 : memref<80x136xf32, #tpu.memory_space<vmem>>)
      "tpu.region"() ({
        %run_scoped3A_107 = tpu.sem_alloc : memref<!tpu.dma_semaphore, #tpu.memory_space<semaphore_mem>>
        %dma_start3A_108 = arith.constant 0 : i32
        %dma_start3A_109 = tpu.memref_slice %arg12[%add3A_73, %dma_start3A_108] : memref<63x80xi32, #tpu.memory_space<vmem>> -> memref<1x80xi32, #tpu.memory_space<vmem>>
        %dma_start3A_110 = tpu.memref_squeeze %dma_start3A_109 : memref<1x80xi32, #tpu.memory_space<vmem>> -> memref<80xi32, #tpu.memory_space<vmem>>
        %dma_start3A_111 = arith.constant 0 : i32
        %dma_start3A_112 = arith.constant 0 : i32
        %dma_start3A_113 = tpu.memref_slice %arg7[%dma_start3A_111, %dma_start3A_112] : memref<10000x136xf32, #tpu.memory_space<vmem_shared>> -> memref<10000x136xf32, #tpu.memory_space<vmem_shared>>
        tpu.enqueue_indirect_dma source(%arg8 : memref<80x136xf32, #tpu.memory_space<vmem>>) target(%dma_start3A_113 : memref<10000x136xf32, #tpu.memory_space<vmem_shared>>) offsets(%dma_start3A_110 : memref<80xi32, #tpu.memory_space<vmem>>) semaphore(%run_scoped3A_107 : memref<!tpu.dma_semaphore, #tpu.memory_space<semaphore_mem>>) {add = true}
        %dma_wait3A_114 = arith.constant 0 : i32
        %dma_wait3A_115 = tpu.memref_slice %arg12[%add3A_73, %dma_wait3A_114] : memref<63x80xi32, #tpu.memory_space<vmem>> -> memref<1x80xi32, #tpu.memory_space<vmem>>
        %dma_wait3A_116 = tpu.memref_squeeze %dma_wait3A_115 : memref<1x80xi32, #tpu.memory_space<vmem>> -> memref<80xi32, #tpu.memory_space<vmem>>
        %dma_wait3A_117 = arith.constant 0 : i32
        %dma_wait3A_118 = arith.constant 0 : i32
        %dma_wait3A_119 = tpu.memref_slice %arg7[%dma_wait3A_117, %dma_wait3A_118] : memref<10000x136xf32, #tpu.memory_space<vmem_shared>> -> memref<10000x136xf32, #tpu.memory_space<vmem_shared>>
        tpu.wait_indirect_dma semaphore(%run_scoped3A_107 : memref<!tpu.dma_semaphore, #tpu.memory_space<semaphore_mem>>) src(%arg8 : memref<80x136xf32, #tpu.memory_space<vmem>>) dst(%dma_wait3A_119 : memref<10000x136xf32, #tpu.memory_space<vmem_shared>>)
        tpu.yield
      }) : () -> ()
      %add3A_80 = arith.constant 3 : i32
      %add3A_81 = arith.addi %add3A_73, %add3A_80 : i32
      %lt3A = arith.constant 63 : i32
      %lt3A_82 = arith.cmpi slt, %add3A_81, %lt3A : i32
      %convert_element_type3A = arith.extui %lt3A_82 : i1 to i32
      %cond3A = arith.constant 0 : i32
      %cond3A_83 = arith.cmpi ne, %convert_element_type3A, %cond3A : i32
      scf.if %cond3A_83 {
        %add3A_107 = arith.constant 3 : i32
        %add3A_108 = arith.addi %add3A_73, %add3A_107 : i32
        %dma_start3A_109 = arith.constant 0 : i32
        %dma_start3A_110 = tpu.memref_slice %arg11[%add3A_108, %dma_start3A_109] : memref<63x80xi32, #tpu.memory_space<vmem>> -> memref<1x80xi32, #tpu.memory_space<vmem>>
        %dma_start3A_111 = tpu.memref_squeeze %dma_start3A_110 : memref<1x80xi32, #tpu.memory_space<vmem>> -> memref<80xi32, #tpu.memory_space<vmem>>
        %dma_start3A_112 = arith.constant 0 : i32
        %dma_start3A_113 = arith.constant 0 : i32
        %dma_start3A_114 = tpu.memref_slice %arg2[%dma_start3A_112, %dma_start3A_113] : memref<10000x136xf32, #tpu.memory_space<hbm>> -> memref<10000x136xf32, #tpu.memory_space<hbm>>
        tpu.enqueue_indirect_dma source(%dma_start3A_114 : memref<10000x136xf32, #tpu.memory_space<hbm>>) target(%arg8 : memref<80x136xf32, #tpu.memory_space<vmem>>) offsets(%dma_start3A_111 : memref<80xi32, #tpu.memory_space<vmem>>) semaphore(%arg13 : memref<!tpu.dma_semaphore, #tpu.memory_space<semaphore_mem>>)
      } else {
      }
      %add3A_84 = arith.constant 1 : i32
      %add3A_85 = arith.addi %mul3A_63, %add3A_84 : i32
      %dma_wait3A_86 = arith.constant 0 : i32
      %dma_wait3A_87 = tpu.memref_slice %arg11[%add3A_85, %dma_wait3A_86] : memref<63x80xi32, #tpu.memory_space<vmem>> -> memref<1x80xi32, #tpu.memory_space<vmem>>
      %dma_wait3A_88 = tpu.memref_squeeze %dma_wait3A_87 : memref<1x80xi32, #tpu.memory_space<vmem>> -> memref<80xi32, #tpu.memory_space<vmem>>
      %dma_wait3A_89 = arith.constant 0 : i32
      %dma_wait3A_90 = arith.constant 0 : i32
      %dma_wait3A_91 = tpu.memref_slice %arg2[%dma_wait3A_89, %dma_wait3A_90] : memref<10000x136xf32, #tpu.memory_space<hbm>> -> memref<10000x136xf32, #tpu.memory_space<hbm>>
      tpu.wait_indirect_dma semaphore(%arg14 : memref<!tpu.dma_semaphore, #tpu.memory_space<semaphore_mem>>) src(%dma_wait3A_91 : memref<10000x136xf32, #tpu.memory_space<hbm>>) dst(%arg9 : memref<80x136xf32, #tpu.memory_space<vmem>>)
      "tpu.region"() ({
        %run_scoped3A_107 = tpu.sem_alloc : memref<!tpu.dma_semaphore, #tpu.memory_space<semaphore_mem>>
        %dma_start3A_108 = arith.constant 0 : i32
        %dma_start3A_109 = tpu.memref_slice %arg12[%add3A_85, %dma_start3A_108] : memref<63x80xi32, #tpu.memory_space<vmem>> -> memref<1x80xi32, #tpu.memory_space<vmem>>
        %dma_start3A_110 = tpu.memref_squeeze %dma_start3A_109 : memref<1x80xi32, #tpu.memory_space<vmem>> -> memref<80xi32, #tpu.memory_space<vmem>>
        %dma_start3A_111 = arith.constant 0 : i32
        %dma_start3A_112 = arith.constant 0 : i32
        %dma_start3A_113 = tpu.memref_slice %arg7[%dma_start3A_111, %dma_start3A_112] : memref<10000x136xf32, #tpu.memory_space<vmem_shared>> -> memref<10000x136xf32, #tpu.memory_space<vmem_shared>>
        tpu.enqueue_indirect_dma source(%arg9 : memref<80x136xf32, #tpu.memory_space<vmem>>) target(%dma_start3A_113 : memref<10000x136xf32, #tpu.memory_space<vmem_shared>>) offsets(%dma_start3A_110 : memref<80xi32, #tpu.memory_space<vmem>>) semaphore(%run_scoped3A_107 : memref<!tpu.dma_semaphore, #tpu.memory_space<semaphore_mem>>) {add = true}
        %dma_wait3A_114 = arith.constant 0 : i32
        %dma_wait3A_115 = tpu.memref_slice %arg12[%add3A_85, %dma_wait3A_114] : memref<63x80xi32, #tpu.memory_space<vmem>> -> memref<1x80xi32, #tpu.memory_space<vmem>>
        %dma_wait3A_116 = tpu.memref_squeeze %dma_wait3A_115 : memref<1x80xi32, #tpu.memory_space<vmem>> -> memref<80xi32, #tpu.memory_space<vmem>>
        %dma_wait3A_117 = arith.constant 0 : i32
        %dma_wait3A_118 = arith.constant 0 : i32
        %dma_wait3A_119 = tpu.memref_slice %arg7[%dma_wait3A_117, %dma_wait3A_118] : memref<10000x136xf32, #tpu.memory_space<vmem_shared>> -> memref<10000x136xf32, #tpu.memory_space<vmem_shared>>
        tpu.wait_indirect_dma semaphore(%run_scoped3A_107 : memref<!tpu.dma_semaphore, #tpu.memory_space<semaphore_mem>>) src(%arg9 : memref<80x136xf32, #tpu.memory_space<vmem>>) dst(%dma_wait3A_119 : memref<10000x136xf32, #tpu.memory_space<vmem_shared>>)
        tpu.yield
      }) : () -> ()
      %add3A_92 = arith.constant 3 : i32
      %add3A_93 = arith.addi %add3A_85, %add3A_92 : i32
      %lt3A_94 = arith.constant 63 : i32
      %lt3A_95 = arith.cmpi slt, %add3A_93, %lt3A_94 : i32
      %convert_element_type3A_96 = arith.extui %lt3A_95 : i1 to i32
      %cond3A_97 = arith.constant 0 : i32
      %cond3A_98 = arith.cmpi ne, %convert_element_type3A_96, %cond3A_97 : i32
      scf.if %cond3A_98 {
        %add3A_107 = arith.constant 3 : i32
        %add3A_108 = arith.addi %add3A_85, %add3A_107 : i32
        %dma_start3A_109 = arith.constant 0 : i32
        %dma_start3A_110 = tpu.memref_slice %arg11[%add3A_108, %dma_start3A_109] : memref<63x80xi32, #tpu.memory_space<vmem>> -> memref<1x80xi32, #tpu.memory_space<vmem>>
        %dma_start3A_111 = tpu.memref_squeeze %dma_start3A_110 : memref<1x80xi32, #tpu.memory_space<vmem>> -> memref<80xi32, #tpu.memory_space<vmem>>
        %dma_start3A_112 = arith.constant 0 : i32
        %dma_start3A_113 = arith.constant 0 : i32
        %dma_start3A_114 = tpu.memref_slice %arg2[%dma_start3A_112, %dma_start3A_113] : memref<10000x136xf32, #tpu.memory_space<hbm>> -> memref<10000x136xf32, #tpu.memory_space<hbm>>
        tpu.enqueue_indirect_dma source(%dma_start3A_114 : memref<10000x136xf32, #tpu.memory_space<hbm>>) target(%arg9 : memref<80x136xf32, #tpu.memory_space<vmem>>) offsets(%dma_start3A_111 : memref<80xi32, #tpu.memory_space<vmem>>) semaphore(%arg14 : memref<!tpu.dma_semaphore, #tpu.memory_space<semaphore_mem>>)
      } else {
      }
      %add3A_99 = arith.constant 2 : i32
      %add3A_100 = arith.addi %mul3A_63, %add3A_99 : i32
      %dma_wait3A_101 = arith.constant 0 : i32
      %dma_wait3A_102 = tpu.memref_slice %arg11[%add3A_100, %dma_wait3A_101] : memref<63x80xi32, #tpu.memory_space<vmem>> -> memref<1x80xi32, #tpu.memory_space<vmem>>
      %dma_wait3A_103 = tpu.memref_squeeze %dma_wait3A_102 : memref<1x80xi32, #tpu.memory_space<vmem>> -> memref<80xi32, #tpu.memory_space<vmem>>
      %dma_wait3A_104 = arith.constant 0 : i32
      %dma_wait3A_105 = arith.constant 0 : i32
      %dma_wait3A_106 = tpu.memref_slice %arg2[%dma_wait3A_104, %dma_wait3A_105] : memref<10000x136xf32, #tpu.memory_space<hbm>> -> memref<10000x136xf32, #tpu.memory_space<hbm>>
      tpu.wait_indirect_dma semaphore(%arg15 : memref<!tpu.dma_semaphore, #tpu.memory_space<semaphore_mem>>) src(%dma_wait3A_106 : memref<10000x136xf32, #tpu.memory_space<hbm>>) dst(%arg10 : memref<80x136xf32, #tpu.memory_space<vmem>>)
      "tpu.region"() ({
        %run_scoped3A_107 = tpu.sem_alloc : memref<!tpu.dma_semaphore, #tpu.memory_space<semaphore_mem>>
        %dma_start3A_108 = arith.constant 0 : i32
        %dma_start3A_109 = tpu.memref_slice %arg12[%add3A_100, %dma_start3A_108] : memref<63x80xi32, #tpu.memory_space<vmem>> -> memref<1x80xi32, #tpu.memory_space<vmem>>
        %dma_start3A_110 = tpu.memref_squeeze %dma_start3A_109 : memref<1x80xi32, #tpu.memory_space<vmem>> -> memref<80xi32, #tpu.memory_space<vmem>>
        %dma_start3A_111 = arith.constant 0 : i32
        %dma_start3A_112 = arith.constant 0 : i32
        %dma_start3A_113 = tpu.memref_slice %arg7[%dma_start3A_111, %dma_start3A_112] : memref<10000x136xf32, #tpu.memory_space<vmem_shared>> -> memref<10000x136xf32, #tpu.memory_space<vmem_shared>>
        tpu.enqueue_indirect_dma source(%arg10 : memref<80x136xf32, #tpu.memory_space<vmem>>) target(%dma_start3A_113 : memref<10000x136xf32, #tpu.memory_space<vmem_shared>>) offsets(%dma_start3A_110 : memref<80xi32, #tpu.memory_space<vmem>>) semaphore(%run_scoped3A_107 : memref<!tpu.dma_semaphore, #tpu.memory_space<semaphore_mem>>) {add = true}
        %dma_wait3A_114 = arith.constant 0 : i32
        %dma_wait3A_115 = tpu.memref_slice %arg12[%add3A_100, %dma_wait3A_114] : memref<63x80xi32, #tpu.memory_space<vmem>> -> memref<1x80xi32, #tpu.memory_space<vmem>>
        %dma_wait3A_116 = tpu.memref_squeeze %dma_wait3A_115 : memref<1x80xi32, #tpu.memory_space<vmem>> -> memref<80xi32, #tpu.memory_space<vmem>>
        %dma_wait3A_117 = arith.constant 0 : i32
        %dma_wait3A_118 = arith.constant 0 : i32
        %dma_wait3A_119 = tpu.memref_slice %arg7[%dma_wait3A_117, %dma_wait3A_118] : memref<10000x136xf32, #tpu.memory_space<vmem_shared>> -> memref<10000x136xf32, #tpu.memory_space<vmem_shared>>
        tpu.wait_indirect_dma semaphore(%run_scoped3A_107 : memref<!tpu.dma_semaphore, #tpu.memory_space<semaphore_mem>>) src(%arg10 : memref<80x136xf32, #tpu.memory_space<vmem>>) dst(%dma_wait3A_119 : memref<10000x136xf32, #tpu.memory_space<vmem_shared>>)
        tpu.yield
      }) : () -> ()
    }
    %scan3A_20 = arith.constant 21 : i32
    "tpu.region"() ({
      %run_scoped3A_61 = tpu.sem_alloc : memref<!tpu.dma_semaphore, #tpu.memory_space<semaphore_mem>>
      %dma_start3A_62 = arith.constant 0 : i32
      %dma_start3A_63 = arith.constant 0 : i32
      %dma_start3A_64 = tpu.memref_slice %arg11[%dma_start3A_62, %dma_start3A_63] : memref<63x80xi32, #tpu.memory_space<vmem>> -> memref<62x80xi32, #tpu.memory_space<vmem>>
      %dma_start3A_65 = arith.constant 63 : i32
      %dma_start3A_66 = arith.constant 0 : i32
      %dma_start3A_67 = tpu.memref_slice %arg3[%add3A, %dma_start3A_65, %dma_start3A_66] : memref<32x125x80xi32, #tpu.memory_space<hbm>> -> memref<1x62x80xi32, #tpu.memory_space<hbm>>
      %dma_start3A_68 = tpu.memref_squeeze %dma_start3A_67 : memref<1x62x80xi32, #tpu.memory_space<hbm>> -> memref<62x80xi32, #tpu.memory_space<hbm>>
      %dma_start3A_69 = arith.constant 0 : i32
      %dma_start3A_70 = arith.constant 0 : i32
      %dma_start3A_71 = tpu.memref_slice %arg11[%dma_start3A_69, %dma_start3A_70] : memref<63x80xi32, #tpu.memory_space<vmem>> -> memref<62x80xi32, #tpu.memory_space<vmem>>
      %dma_start3A_72 = arith.constant 63 : i32
      %dma_start3A_73 = arith.constant 0 : i32
      %dma_start3A_74 = tpu.memref_slice %arg3[%add3A, %dma_start3A_72, %dma_start3A_73] : memref<32x125x80xi32, #tpu.memory_space<hbm>> -> memref<1x62x80xi32, #tpu.memory_space<hbm>>
      %dma_start3A_75 = tpu.memref_squeeze %dma_start3A_74 : memref<1x62x80xi32, #tpu.memory_space<hbm>> -> memref<62x80xi32, #tpu.memory_space<hbm>>
      tpu.enqueue_dma source(%dma_start3A_75 : memref<62x80xi32, #tpu.memory_space<hbm>>) target(%dma_start3A_71 : memref<62x80xi32, #tpu.memory_space<vmem>>) target_semaphore(%run_scoped3A_61 : memref<!tpu.dma_semaphore, #tpu.memory_space<semaphore_mem>>)
      %dma_wait3A_76 = arith.constant 0 : i32
      %dma_wait3A_77 = arith.constant 0 : i32
      %dma_wait3A_78 = tpu.memref_slice %arg11[%dma_wait3A_76, %dma_wait3A_77] : memref<63x80xi32, #tpu.memory_space<vmem>> -> memref<62x80xi32, #tpu.memory_space<vmem>>
      %dma_wait3A_79 = arith.constant 63 : i32
      %dma_wait3A_80 = arith.constant 0 : i32
      %dma_wait3A_81 = tpu.memref_slice %arg3[%add3A, %dma_wait3A_79, %dma_wait3A_80] : memref<32x125x80xi32, #tpu.memory_space<hbm>> -> memref<1x62x80xi32, #tpu.memory_space<hbm>>
      %dma_wait3A_82 = tpu.memref_squeeze %dma_wait3A_81 : memref<1x62x80xi32, #tpu.memory_space<hbm>> -> memref<62x80xi32, #tpu.memory_space<hbm>>
      %dma_wait3A_83 = arith.constant 0 : i32
      %dma_wait3A_84 = arith.constant 0 : i32
      %dma_wait3A_85 = tpu.memref_slice %arg11[%dma_wait3A_83, %dma_wait3A_84] : memref<63x80xi32, #tpu.memory_space<vmem>> -> memref<62x80xi32, #tpu.memory_space<vmem>>
      %dma_wait3A_86 = arith.constant 63 : i32
      %dma_wait3A_87 = arith.constant 0 : i32
      %dma_wait3A_88 = tpu.memref_slice %arg3[%add3A, %dma_wait3A_86, %dma_wait3A_87] : memref<32x125x80xi32, #tpu.memory_space<hbm>> -> memref<1x62x80xi32, #tpu.memory_space<hbm>>
      %dma_wait3A_89 = tpu.memref_squeeze %dma_wait3A_88 : memref<1x62x80xi32, #tpu.memory_space<hbm>> -> memref<62x80xi32, #tpu.memory_space<hbm>>
      tpu.wait_dma2 semaphore(%run_scoped3A_61 : memref<!tpu.dma_semaphore, #tpu.memory_space<semaphore_mem>>) src(%dma_wait3A_89 : memref<62x80xi32, #tpu.memory_space<hbm>>) dst(%dma_wait3A_85 : memref<62x80xi32, #tpu.memory_space<vmem>>)
      tpu.yield
    }) : () -> ()
    "tpu.region"() ({
      %run_scoped3A_61 = tpu.sem_alloc : memref<!tpu.dma_semaphore, #tpu.memory_space<semaphore_mem>>
      %dma_start3A_62 = arith.constant 0 : i32
      %dma_start3A_63 = arith.constant 0 : i32
      %dma_start3A_64 = tpu.memref_slice %arg12[%dma_start3A_62, %dma_start3A_63] : memref<63x80xi32, #tpu.memory_space<vmem>> -> memref<62x80xi32, #tpu.memory_space<vmem>>
      %dma_start3A_65 = arith.constant 63 : i32
      %dma_start3A_66 = arith.constant 0 : i32
      %dma_start3A_67 = tpu.memref_slice %arg4[%add3A, %dma_start3A_65, %dma_start3A_66] : memref<32x125x80xi32, #tpu.memory_space<hbm>> -> memref<1x62x80xi32, #tpu.memory_space<hbm>>
      %dma_start3A_68 = tpu.memref_squeeze %dma_start3A_67 : memref<1x62x80xi32, #tpu.memory_space<hbm>> -> memref<62x80xi32, #tpu.memory_space<hbm>>
      %dma_start3A_69 = arith.constant 0 : i32
      %dma_start3A_70 = arith.constant 0 : i32
      %dma_start3A_71 = tpu.memref_slice %arg12[%dma_start3A_69, %dma_start3A_70] : memref<63x80xi32, #tpu.memory_space<vmem>> -> memref<62x80xi32, #tpu.memory_space<vmem>>
      %dma_start3A_72 = arith.constant 63 : i32
      %dma_start3A_73 = arith.constant 0 : i32
      %dma_start3A_74 = tpu.memref_slice %arg4[%add3A, %dma_start3A_72, %dma_start3A_73] : memref<32x125x80xi32, #tpu.memory_space<hbm>> -> memref<1x62x80xi32, #tpu.memory_space<hbm>>
      %dma_start3A_75 = tpu.memref_squeeze %dma_start3A_74 : memref<1x62x80xi32, #tpu.memory_space<hbm>> -> memref<62x80xi32, #tpu.memory_space<hbm>>
      tpu.enqueue_dma source(%dma_start3A_75 : memref<62x80xi32, #tpu.memory_space<hbm>>) target(%dma_start3A_71 : memref<62x80xi32, #tpu.memory_space<vmem>>) target_semaphore(%run_scoped3A_61 : memref<!tpu.dma_semaphore, #tpu.memory_space<semaphore_mem>>)
      %dma_wait3A_76 = arith.constant 0 : i32
      %dma_wait3A_77 = arith.constant 0 : i32
      %dma_wait3A_78 = tpu.memref_slice %arg12[%dma_wait3A_76, %dma_wait3A_77] : memref<63x80xi32, #tpu.memory_space<vmem>> -> memref<62x80xi32, #tpu.memory_space<vmem>>
      %dma_wait3A_79 = arith.constant 63 : i32
      %dma_wait3A_80 = arith.constant 0 : i32
      %dma_wait3A_81 = tpu.memref_slice %arg4[%add3A, %dma_wait3A_79, %dma_wait3A_80] : memref<32x125x80xi32, #tpu.memory_space<hbm>> -> memref<1x62x80xi32, #tpu.memory_space<hbm>>
      %dma_wait3A_82 = tpu.memref_squeeze %dma_wait3A_81 : memref<1x62x80xi32, #tpu.memory_space<hbm>> -> memref<62x80xi32, #tpu.memory_space<hbm>>
      %dma_wait3A_83 = arith.constant 0 : i32
      %dma_wait3A_84 = arith.constant 0 : i32
      %dma_wait3A_85 = tpu.memref_slice %arg12[%dma_wait3A_83, %dma_wait3A_84] : memref<63x80xi32, #tpu.memory_space<vmem>> -> memref<62x80xi32, #tpu.memory_space<vmem>>
      %dma_wait3A_86 = arith.constant 63 : i32
      %dma_wait3A_87 = arith.constant 0 : i32
      %dma_wait3A_88 = tpu.memref_slice %arg4[%add3A, %dma_wait3A_86, %dma_wait3A_87] : memref<32x125x80xi32, #tpu.memory_space<hbm>> -> memref<1x62x80xi32, #tpu.memory_space<hbm>>
      %dma_wait3A_89 = tpu.memref_squeeze %dma_wait3A_88 : memref<1x62x80xi32, #tpu.memory_space<hbm>> -> memref<62x80xi32, #tpu.memory_space<hbm>>
      tpu.wait_dma2 semaphore(%run_scoped3A_61 : memref<!tpu.dma_semaphore, #tpu.memory_space<semaphore_mem>>) src(%dma_wait3A_89 : memref<62x80xi32, #tpu.memory_space<hbm>>) dst(%dma_wait3A_85 : memref<62x80xi32, #tpu.memory_space<vmem>>)
      tpu.yield
    }) : () -> ()
    %dma_start3A_21 = arith.constant 0 : i32
    %dma_start3A_22 = arith.constant 0 : i32
    %dma_start3A_23 = tpu.memref_slice %arg11[%dma_start3A_21, %dma_start3A_22] : memref<63x80xi32, #tpu.memory_space<vmem>> -> memref<1x80xi32, #tpu.memory_space<vmem>>
    %dma_start3A_24 = tpu.memref_squeeze %dma_start3A_23 : memref<1x80xi32, #tpu.memory_space<vmem>> -> memref<80xi32, #tpu.memory_space<vmem>>
    %dma_start3A_25 = arith.constant 0 : i32
    %dma_start3A_26 = arith.constant 0 : i32
    %dma_start3A_27 = tpu.memref_slice %arg2[%dma_start3A_25, %dma_start3A_26] : memref<10000x136xf32, #tpu.memory_space<hbm>> -> memref<10000x136xf32, #tpu.memory_space<hbm>>
    tpu.enqueue_indirect_dma source(%dma_start3A_27 : memref<10000x136xf32, #tpu.memory_space<hbm>>) target(%arg8 : memref<80x136xf32, #tpu.memory_space<vmem>>) offsets(%dma_start3A_24 : memref<80xi32, #tpu.memory_space<vmem>>) semaphore(%arg13 : memref<!tpu.dma_semaphore, #tpu.memory_space<semaphore_mem>>)
    %dma_start3A_28 = arith.constant 1 : i32
    %dma_start3A_29 = arith.constant 0 : i32
    %dma_start3A_30 = tpu.memref_slice %arg11[%dma_start3A_28, %dma_start3A_29] : memref<63x80xi32, #tpu.memory_space<vmem>> -> memref<1x80xi32, #tpu.memory_space<vmem>>
    %dma_start3A_31 = tpu.memref_squeeze %dma_start3A_30 : memref<1x80xi32, #tpu.memory_space<vmem>> -> memref<80xi32, #tpu.memory_space<vmem>>
    %dma_start3A_32 = arith.constant 0 : i32
    %dma_start3A_33 = arith.constant 0 : i32
    %dma_start3A_34 = tpu.memref_slice %arg2[%dma_start3A_32, %dma_start3A_33] : memref<10000x136xf32, #tpu.memory_space<hbm>> -> memref<10000x136xf32, #tpu.memory_space<hbm>>
    tpu.enqueue_indirect_dma source(%dma_start3A_34 : memref<10000x136xf32, #tpu.memory_space<hbm>>) target(%arg9 : memref<80x136xf32, #tpu.memory_space<vmem>>) offsets(%dma_start3A_31 : memref<80xi32, #tpu.memory_space<vmem>>) semaphore(%arg14 : memref<!tpu.dma_semaphore, #tpu.memory_space<semaphore_mem>>)
    %scan3A_35 = arith.constant 0 : i32
    %scan3A_36 = arith.constant 0 : i32
    %scan3A_37 = arith.constant 20 : i32
    %scan3A_38 = arith.addi %scan3A_36, %scan3A_37 : i32
    %scan3A_39 = arith.constant 1 : i32
    scf.for %scan3A_61 = %scan3A_36 to %scan3A_38 step %scan3A_39  : i32 {
      %mul3A_62 = arith.constant 3 : i32
      %mul3A_63 = arith.muli %mul3A_62, %scan3A_61 : i32
      %add3A_64 = arith.constant 2 : i32
      %add3A_65 = arith.addi %mul3A_63, %add3A_64 : i32
      %dma_start3A_66 = arith.constant 0 : i32
      %dma_start3A_67 = tpu.memref_slice %arg11[%add3A_65, %dma_start3A_66] : memref<63x80xi32, #tpu.memory_space<vmem>> -> memref<1x80xi32, #tpu.memory_space<vmem>>
      %dma_start3A_68 = tpu.memref_squeeze %dma_start3A_67 : memref<1x80xi32, #tpu.memory_space<vmem>> -> memref<80xi32, #tpu.memory_space<vmem>>
      %dma_start3A_69 = arith.constant 0 : i32
      %dma_start3A_70 = arith.constant 0 : i32
      %dma_start3A_71 = tpu.memref_slice %arg2[%dma_start3A_69, %dma_start3A_70] : memref<10000x136xf32, #tpu.memory_space<hbm>> -> memref<10000x136xf32, #tpu.memory_space<hbm>>
      tpu.enqueue_indirect_dma source(%dma_start3A_71 : memref<10000x136xf32, #tpu.memory_space<hbm>>) target(%arg10 : memref<80x136xf32, #tpu.memory_space<vmem>>) offsets(%dma_start3A_68 : memref<80xi32, #tpu.memory_space<vmem>>) semaphore(%arg15 : memref<!tpu.dma_semaphore, #tpu.memory_space<semaphore_mem>>)
      %add3A_72 = arith.constant 0 : i32
      %add3A_73 = arith.addi %mul3A_63, %add3A_72 : i32
      %dma_wait3A_74 = arith.constant 0 : i32
      %dma_wait3A_75 = tpu.memref_slice %arg11[%add3A_73, %dma_wait3A_74] : memref<63x80xi32, #tpu.memory_space<vmem>> -> memref<1x80xi32, #tpu.memory_space<vmem>>
      %dma_wait3A_76 = tpu.memref_squeeze %dma_wait3A_75 : memref<1x80xi32, #tpu.memory_space<vmem>> -> memref<80xi32, #tpu.memory_space<vmem>>
      %dma_wait3A_77 = arith.constant 0 : i32
      %dma_wait3A_78 = arith.constant 0 : i32
      %dma_wait3A_79 = tpu.memref_slice %arg2[%dma_wait3A_77, %dma_wait3A_78] : memref<10000x136xf32, #tpu.memory_space<hbm>> -> memref<10000x136xf32, #tpu.memory_space<hbm>>
      tpu.wait_indirect_dma semaphore(%arg13 : memref<!tpu.dma_semaphore, #tpu.memory_space<semaphore_mem>>) src(%dma_wait3A_79 : memref<10000x136xf32, #tpu.memory_space<hbm>>) dst(%arg8 : memref<80x136xf32, #tpu.memory_space<vmem>>)
      "tpu.region"() ({
        %run_scoped3A_107 = tpu.sem_alloc : memref<!tpu.dma_semaphore, #tpu.memory_space<semaphore_mem>>
        %dma_start3A_108 = arith.constant 0 : i32
        %dma_start3A_109 = tpu.memref_slice %arg12[%add3A_73, %dma_start3A_108] : memref<63x80xi32, #tpu.memory_space<vmem>> -> memref<1x80xi32, #tpu.memory_space<vmem>>
        %dma_start3A_110 = tpu.memref_squeeze %dma_start3A_109 : memref<1x80xi32, #tpu.memory_space<vmem>> -> memref<80xi32, #tpu.memory_space<vmem>>
        %dma_start3A_111 = arith.constant 0 : i32
        %dma_start3A_112 = arith.constant 0 : i32
        %dma_start3A_113 = tpu.memref_slice %arg7[%dma_start3A_111, %dma_start3A_112] : memref<10000x136xf32, #tpu.memory_space<vmem_shared>> -> memref<10000x136xf32, #tpu.memory_space<vmem_shared>>
        tpu.enqueue_indirect_dma source(%arg8 : memref<80x136xf32, #tpu.memory_space<vmem>>) target(%dma_start3A_113 : memref<10000x136xf32, #tpu.memory_space<vmem_shared>>) offsets(%dma_start3A_110 : memref<80xi32, #tpu.memory_space<vmem>>) semaphore(%run_scoped3A_107 : memref<!tpu.dma_semaphore, #tpu.memory_space<semaphore_mem>>) {add = true}
        %dma_wait3A_114 = arith.constant 0 : i32
        %dma_wait3A_115 = tpu.memref_slice %arg12[%add3A_73, %dma_wait3A_114] : memref<63x80xi32, #tpu.memory_space<vmem>> -> memref<1x80xi32, #tpu.memory_space<vmem>>
        %dma_wait3A_116 = tpu.memref_squeeze %dma_wait3A_115 : memref<1x80xi32, #tpu.memory_space<vmem>> -> memref<80xi32, #tpu.memory_space<vmem>>
        %dma_wait3A_117 = arith.constant 0 : i32
        %dma_wait3A_118 = arith.constant 0 : i32
        %dma_wait3A_119 = tpu.memref_slice %arg7[%dma_wait3A_117, %dma_wait3A_118] : memref<10000x136xf32, #tpu.memory_space<vmem_shared>> -> memref<10000x136xf32, #tpu.memory_space<vmem_shared>>
        tpu.wait_indirect_dma semaphore(%run_scoped3A_107 : memref<!tpu.dma_semaphore, #tpu.memory_space<semaphore_mem>>) src(%arg8 : memref<80x136xf32, #tpu.memory_space<vmem>>) dst(%dma_wait3A_119 : memref<10000x136xf32, #tpu.memory_space<vmem_shared>>)
        tpu.yield
      }) : () -> ()
      %add3A_80 = arith.constant 3 : i32
      %add3A_81 = arith.addi %add3A_73, %add3A_80 : i32
      %lt3A = arith.constant 62 : i32
      %lt3A_82 = arith.cmpi slt, %add3A_81, %lt3A : i32
      %convert_element_type3A = arith.extui %lt3A_82 : i1 to i32
      %cond3A = arith.constant 0 : i32
      %cond3A_83 = arith.cmpi ne, %convert_element_type3A, %cond3A : i32
      scf.if %cond3A_83 {
        %add3A_107 = arith.constant 3 : i32
        %add3A_108 = arith.addi %add3A_73, %add3A_107 : i32
        %dma_start3A_109 = arith.constant 0 : i32
        %dma_start3A_110 = tpu.memref_slice %arg11[%add3A_108, %dma_start3A_109] : memref<63x80xi32, #tpu.memory_space<vmem>> -> memref<1x80xi32, #tpu.memory_space<vmem>>
        %dma_start3A_111 = tpu.memref_squeeze %dma_start3A_110 : memref<1x80xi32, #tpu.memory_space<vmem>> -> memref<80xi32, #tpu.memory_space<vmem>>
        %dma_start3A_112 = arith.constant 0 : i32
        %dma_start3A_113 = arith.constant 0 : i32
        %dma_start3A_114 = tpu.memref_slice %arg2[%dma_start3A_112, %dma_start3A_113] : memref<10000x136xf32, #tpu.memory_space<hbm>> -> memref<10000x136xf32, #tpu.memory_space<hbm>>
        tpu.enqueue_indirect_dma source(%dma_start3A_114 : memref<10000x136xf32, #tpu.memory_space<hbm>>) target(%arg8 : memref<80x136xf32, #tpu.memory_space<vmem>>) offsets(%dma_start3A_111 : memref<80xi32, #tpu.memory_space<vmem>>) semaphore(%arg13 : memref<!tpu.dma_semaphore, #tpu.memory_space<semaphore_mem>>)
      } else {
      }
      %add3A_84 = arith.constant 1 : i32
      %add3A_85 = arith.addi %mul3A_63, %add3A_84 : i32
      %dma_wait3A_86 = arith.constant 0 : i32
      %dma_wait3A_87 = tpu.memref_slice %arg11[%add3A_85, %dma_wait3A_86] : memref<63x80xi32, #tpu.memory_space<vmem>> -> memref<1x80xi32, #tpu.memory_space<vmem>>
      %dma_wait3A_88 = tpu.memref_squeeze %dma_wait3A_87 : memref<1x80xi32, #tpu.memory_space<vmem>> -> memref<80xi32, #tpu.memory_space<vmem>>
      %dma_wait3A_89 = arith.constant 0 : i32
      %dma_wait3A_90 = arith.constant 0 : i32
      %dma_wait3A_91 = tpu.memref_slice %arg2[%dma_wait3A_89, %dma_wait3A_90] : memref<10000x136xf32, #tpu.memory_space<hbm>> -> memref<10000x136xf32, #tpu.memory_space<hbm>>
      tpu.wait_indirect_dma semaphore(%arg14 : memref<!tpu.dma_semaphore, #tpu.memory_space<semaphore_mem>>) src(%dma_wait3A_91 : memref<10000x136xf32, #tpu.memory_space<hbm>>) dst(%arg9 : memref<80x136xf32, #tpu.memory_space<vmem>>)
      "tpu.region"() ({
        %run_scoped3A_107 = tpu.sem_alloc : memref<!tpu.dma_semaphore, #tpu.memory_space<semaphore_mem>>
        %dma_start3A_108 = arith.constant 0 : i32
        %dma_start3A_109 = tpu.memref_slice %arg12[%add3A_85, %dma_start3A_108] : memref<63x80xi32, #tpu.memory_space<vmem>> -> memref<1x80xi32, #tpu.memory_space<vmem>>
        %dma_start3A_110 = tpu.memref_squeeze %dma_start3A_109 : memref<1x80xi32, #tpu.memory_space<vmem>> -> memref<80xi32, #tpu.memory_space<vmem>>
        %dma_start3A_111 = arith.constant 0 : i32
        %dma_start3A_112 = arith.constant 0 : i32
        %dma_start3A_113 = tpu.memref_slice %arg7[%dma_start3A_111, %dma_start3A_112] : memref<10000x136xf32, #tpu.memory_space<vmem_shared>> -> memref<10000x136xf32, #tpu.memory_space<vmem_shared>>
        tpu.enqueue_indirect_dma source(%arg9 : memref<80x136xf32, #tpu.memory_space<vmem>>) target(%dma_start3A_113 : memref<10000x136xf32, #tpu.memory_space<vmem_shared>>) offsets(%dma_start3A_110 : memref<80xi32, #tpu.memory_space<vmem>>) semaphore(%run_scoped3A_107 : memref<!tpu.dma_semaphore, #tpu.memory_space<semaphore_mem>>) {add = true}
        %dma_wait3A_114 = arith.constant 0 : i32
        %dma_wait3A_115 = tpu.memref_slice %arg12[%add3A_85, %dma_wait3A_114] : memref<63x80xi32, #tpu.memory_space<vmem>> -> memref<1x80xi32, #tpu.memory_space<vmem>>
        %dma_wait3A_116 = tpu.memref_squeeze %dma_wait3A_115 : memref<1x80xi32, #tpu.memory_space<vmem>> -> memref<80xi32, #tpu.memory_space<vmem>>
        %dma_wait3A_117 = arith.constant 0 : i32
        %dma_wait3A_118 = arith.constant 0 : i32
        %dma_wait3A_119 = tpu.memref_slice %arg7[%dma_wait3A_117, %dma_wait3A_118] : memref<10000x136xf32, #tpu.memory_space<vmem_shared>> -> memref<10000x136xf32, #tpu.memory_space<vmem_shared>>
        tpu.wait_indirect_dma semaphore(%run_scoped3A_107 : memref<!tpu.dma_semaphore, #tpu.memory_space<semaphore_mem>>) src(%arg9 : memref<80x136xf32, #tpu.memory_space<vmem>>) dst(%dma_wait3A_119 : memref<10000x136xf32, #tpu.memory_space<vmem_shared>>)
        tpu.yield
      }) : () -> ()
      %add3A_92 = arith.constant 3 : i32
      %add3A_93 = arith.addi %add3A_85, %add3A_92 : i32
      %lt3A_94 = arith.constant 62 : i32
      %lt3A_95 = arith.cmpi slt, %add3A_93, %lt3A_94 : i32
      %convert_element_type3A_96 = arith.extui %lt3A_95 : i1 to i32
      %cond3A_97 = arith.constant 0 : i32
      %cond3A_98 = arith.cmpi ne, %convert_element_type3A_96, %cond3A_97 : i32
      scf.if %cond3A_98 {
        %add3A_107 = arith.constant 3 : i32
        %add3A_108 = arith.addi %add3A_85, %add3A_107 : i32
        %dma_start3A_109 = arith.constant 0 : i32
        %dma_start3A_110 = tpu.memref_slice %arg11[%add3A_108, %dma_start3A_109] : memref<63x80xi32, #tpu.memory_space<vmem>> -> memref<1x80xi32, #tpu.memory_space<vmem>>
        %dma_start3A_111 = tpu.memref_squeeze %dma_start3A_110 : memref<1x80xi32, #tpu.memory_space<vmem>> -> memref<80xi32, #tpu.memory_space<vmem>>
        %dma_start3A_112 = arith.constant 0 : i32
        %dma_start3A_113 = arith.constant 0 : i32
        %dma_start3A_114 = tpu.memref_slice %arg2[%dma_start3A_112, %dma_start3A_113] : memref<10000x136xf32, #tpu.memory_space<hbm>> -> memref<10000x136xf32, #tpu.memory_space<hbm>>
        tpu.enqueue_indirect_dma source(%dma_start3A_114 : memref<10000x136xf32, #tpu.memory_space<hbm>>) target(%arg9 : memref<80x136xf32, #tpu.memory_space<vmem>>) offsets(%dma_start3A_111 : memref<80xi32, #tpu.memory_space<vmem>>) semaphore(%arg14 : memref<!tpu.dma_semaphore, #tpu.memory_space<semaphore_mem>>)
      } else {
      }
      %add3A_99 = arith.constant 2 : i32
      %add3A_100 = arith.addi %mul3A_63, %add3A_99 : i32
      %dma_wait3A_101 = arith.constant 0 : i32
      %dma_wait3A_102 = tpu.memref_slice %arg11[%add3A_100, %dma_wait3A_101] : memref<63x80xi32, #tpu.memory_space<vmem>> -> memref<1x80xi32, #tpu.memory_space<vmem>>
      %dma_wait3A_103 = tpu.memref_squeeze %dma_wait3A_102 : memref<1x80xi32, #tpu.memory_space<vmem>> -> memref<80xi32, #tpu.memory_space<vmem>>
      %dma_wait3A_104 = arith.constant 0 : i32
      %dma_wait3A_105 = arith.constant 0 : i32
      %dma_wait3A_106 = tpu.memref_slice %arg2[%dma_wait3A_104, %dma_wait3A_105] : memref<10000x136xf32, #tpu.memory_space<hbm>> -> memref<10000x136xf32, #tpu.memory_space<hbm>>
      tpu.wait_indirect_dma semaphore(%arg15 : memref<!tpu.dma_semaphore, #tpu.memory_space<semaphore_mem>>) src(%dma_wait3A_106 : memref<10000x136xf32, #tpu.memory_space<hbm>>) dst(%arg10 : memref<80x136xf32, #tpu.memory_space<vmem>>)
      "tpu.region"() ({
        %run_scoped3A_107 = tpu.sem_alloc : memref<!tpu.dma_semaphore, #tpu.memory_space<semaphore_mem>>
        %dma_start3A_108 = arith.constant 0 : i32
        %dma_start3A_109 = tpu.memref_slice %arg12[%add3A_100, %dma_start3A_108] : memref<63x80xi32, #tpu.memory_space<vmem>> -> memref<1x80xi32, #tpu.memory_space<vmem>>
        %dma_start3A_110 = tpu.memref_squeeze %dma_start3A_109 : memref<1x80xi32, #tpu.memory_space<vmem>> -> memref<80xi32, #tpu.memory_space<vmem>>
        %dma_start3A_111 = arith.constant 0 : i32
        %dma_start3A_112 = arith.constant 0 : i32
        %dma_start3A_113 = tpu.memref_slice %arg7[%dma_start3A_111, %dma_start3A_112] : memref<10000x136xf32, #tpu.memory_space<vmem_shared>> -> memref<10000x136xf32, #tpu.memory_space<vmem_shared>>
        tpu.enqueue_indirect_dma source(%arg10 : memref<80x136xf32, #tpu.memory_space<vmem>>) target(%dma_start3A_113 : memref<10000x136xf32, #tpu.memory_space<vmem_shared>>) offsets(%dma_start3A_110 : memref<80xi32, #tpu.memory_space<vmem>>) semaphore(%run_scoped3A_107 : memref<!tpu.dma_semaphore, #tpu.memory_space<semaphore_mem>>) {add = true}
        %dma_wait3A_114 = arith.constant 0 : i32
        %dma_wait3A_115 = tpu.memref_slice %arg12[%add3A_100, %dma_wait3A_114] : memref<63x80xi32, #tpu.memory_space<vmem>> -> memref<1x80xi32, #tpu.memory_space<vmem>>
        %dma_wait3A_116 = tpu.memref_squeeze %dma_wait3A_115 : memref<1x80xi32, #tpu.memory_space<vmem>> -> memref<80xi32, #tpu.memory_space<vmem>>
        %dma_wait3A_117 = arith.constant 0 : i32
        %dma_wait3A_118 = arith.constant 0 : i32
        %dma_wait3A_119 = tpu.memref_slice %arg7[%dma_wait3A_117, %dma_wait3A_118] : memref<10000x136xf32, #tpu.memory_space<vmem_shared>> -> memref<10000x136xf32, #tpu.memory_space<vmem_shared>>
        tpu.wait_indirect_dma semaphore(%run_scoped3A_107 : memref<!tpu.dma_semaphore, #tpu.memory_space<semaphore_mem>>) src(%arg10 : memref<80x136xf32, #tpu.memory_space<vmem>>) dst(%dma_wait3A_119 : memref<10000x136xf32, #tpu.memory_space<vmem_shared>>)
        tpu.yield
      }) : () -> ()
    }
    %scan3A_40 = arith.constant 20 : i32
    %dma_wait3A = arith.constant 60 : i32
    %dma_wait3A_41 = arith.constant 0 : i32
    %dma_wait3A_42 = tpu.memref_slice %arg11[%dma_wait3A, %dma_wait3A_41] : memref<63x80xi32, #tpu.memory_space<vmem>> -> memref<1x80xi32, #tpu.memory_space<vmem>>
    %dma_wait3A_43 = tpu.memref_squeeze %dma_wait3A_42 : memref<1x80xi32, #tpu.memory_space<vmem>> -> memref<80xi32, #tpu.memory_space<vmem>>
    %dma_wait3A_44 = arith.constant 0 : i32
    %dma_wait3A_45 = arith.constant 0 : i32
    %dma_wait3A_46 = tpu.memref_slice %arg2[%dma_wait3A_44, %dma_wait3A_45] : memref<10000x136xf32, #tpu.memory_space<hbm>> -> memref<10000x136xf32, #tpu.memory_space<hbm>>
    tpu.wait_indirect_dma semaphore(%arg13 : memref<!tpu.dma_semaphore, #tpu.memory_space<semaphore_mem>>) src(%dma_wait3A_46 : memref<10000x136xf32, #tpu.memory_space<hbm>>) dst(%arg8 : memref<80x136xf32, #tpu.memory_space<vmem>>)
    %run_scoped3A = arith.constant 60 : i32
    "tpu.region"() ({
      %run_scoped3A_61 = tpu.sem_alloc : memref<!tpu.dma_semaphore, #tpu.memory_space<semaphore_mem>>
      %dma_start3A_62 = arith.constant 0 : i32
      %dma_start3A_63 = tpu.memref_slice %arg12[%run_scoped3A, %dma_start3A_62] : memref<63x80xi32, #tpu.memory_space<vmem>> -> memref<1x80xi32, #tpu.memory_space<vmem>>
      %dma_start3A_64 = tpu.memref_squeeze %dma_start3A_63 : memref<1x80xi32, #tpu.memory_space<vmem>> -> memref<80xi32, #tpu.memory_space<vmem>>
      %dma_start3A_65 = arith.constant 0 : i32
      %dma_start3A_66 = arith.constant 0 : i32
      %dma_start3A_67 = tpu.memref_slice %arg7[%dma_start3A_65, %dma_start3A_66] : memref<10000x136xf32, #tpu.memory_space<vmem_shared>> -> memref<10000x136xf32, #tpu.memory_space<vmem_shared>>
      tpu.enqueue_indirect_dma source(%arg8 : memref<80x136xf32, #tpu.memory_space<vmem>>) target(%dma_start3A_67 : memref<10000x136xf32, #tpu.memory_space<vmem_shared>>) offsets(%dma_start3A_64 : memref<80xi32, #tpu.memory_space<vmem>>) semaphore(%run_scoped3A_61 : memref<!tpu.dma_semaphore, #tpu.memory_space<semaphore_mem>>) {add = true}
      %dma_wait3A_68 = arith.constant 0 : i32
      %dma_wait3A_69 = tpu.memref_slice %arg12[%run_scoped3A, %dma_wait3A_68] : memref<63x80xi32, #tpu.memory_space<vmem>> -> memref<1x80xi32, #tpu.memory_space<vmem>>
      %dma_wait3A_70 = tpu.memref_squeeze %dma_wait3A_69 : memref<1x80xi32, #tpu.memory_space<vmem>> -> memref<80xi32, #tpu.memory_space<vmem>>
      %dma_wait3A_71 = arith.constant 0 : i32
      %dma_wait3A_72 = arith.constant 0 : i32
      %dma_wait3A_73 = tpu.memref_slice %arg7[%dma_wait3A_71, %dma_wait3A_72] : memref<10000x136xf32, #tpu.memory_space<vmem_shared>> -> memref<10000x136xf32, #tpu.memory_space<vmem_shared>>
      tpu.wait_indirect_dma semaphore(%run_scoped3A_61 : memref<!tpu.dma_semaphore, #tpu.memory_space<semaphore_mem>>) src(%arg8 : memref<80x136xf32, #tpu.memory_space<vmem>>) dst(%dma_wait3A_73 : memref<10000x136xf32, #tpu.memory_space<vmem_shared>>)
      tpu.yield
    }) : () -> ()
    %dma_wait3A_47 = arith.constant 61 : i32
    %dma_wait3A_48 = arith.constant 0 : i32
    %dma_wait3A_49 = tpu.memref_slice %arg11[%dma_wait3A_47, %dma_wait3A_48] : memref<63x80xi32, #tpu.memory_space<vmem>> -> memref<1x80xi32, #tpu.memory_space<vmem>>
    %dma_wait3A_50 = tpu.memref_squeeze %dma_wait3A_49 : memref<1x80xi32, #tpu.memory_space<vmem>> -> memref<80xi32, #tpu.memory_space<vmem>>
    %dma_wait3A_51 = arith.constant 0 : i32
    %dma_wait3A_52 = arith.constant 0 : i32
    %dma_wait3A_53 = tpu.memref_slice %arg2[%dma_wait3A_51, %dma_wait3A_52] : memref<10000x136xf32, #tpu.memory_space<hbm>> -> memref<10000x136xf32, #tpu.memory_space<hbm>>
    tpu.wait_indirect_dma semaphore(%arg14 : memref<!tpu.dma_semaphore, #tpu.memory_space<semaphore_mem>>) src(%dma_wait3A_53 : memref<10000x136xf32, #tpu.memory_space<hbm>>) dst(%arg9 : memref<80x136xf32, #tpu.memory_space<vmem>>)
    %run_scoped3A_54 = arith.constant 61 : i32
    "tpu.region"() ({
      %run_scoped3A_61 = tpu.sem_alloc : memref<!tpu.dma_semaphore, #tpu.memory_space<semaphore_mem>>
      %dma_start3A_62 = arith.constant 0 : i32
      %dma_start3A_63 = tpu.memref_slice %arg12[%run_scoped3A_54, %dma_start3A_62] : memref<63x80xi32, #tpu.memory_space<vmem>> -> memref<1x80xi32, #tpu.memory_space<vmem>>
      %dma_start3A_64 = tpu.memref_squeeze %dma_start3A_63 : memref<1x80xi32, #tpu.memory_space<vmem>> -> memref<80xi32, #tpu.memory_space<vmem>>
      %dma_start3A_65 = arith.constant 0 : i32
      %dma_start3A_66 = arith.constant 0 : i32
      %dma_start3A_67 = tpu.memref_slice %arg7[%dma_start3A_65, %dma_start3A_66] : memref<10000x136xf32, #tpu.memory_space<vmem_shared>> -> memref<10000x136xf32, #tpu.memory_space<vmem_shared>>
      tpu.enqueue_indirect_dma source(%arg9 : memref<80x136xf32, #tpu.memory_space<vmem>>) target(%dma_start3A_67 : memref<10000x136xf32, #tpu.memory_space<vmem_shared>>) offsets(%dma_start3A_64 : memref<80xi32, #tpu.memory_space<vmem>>) semaphore(%run_scoped3A_61 : memref<!tpu.dma_semaphore, #tpu.memory_space<semaphore_mem>>) {add = true}
      %dma_wait3A_68 = arith.constant 0 : i32
      %dma_wait3A_69 = tpu.memref_slice %arg12[%run_scoped3A_54, %dma_wait3A_68] : memref<63x80xi32, #tpu.memory_space<vmem>> -> memref<1x80xi32, #tpu.memory_space<vmem>>
      %dma_wait3A_70 = tpu.memref_squeeze %dma_wait3A_69 : memref<1x80xi32, #tpu.memory_space<vmem>> -> memref<80xi32, #tpu.memory_space<vmem>>
      %dma_wait3A_71 = arith.constant 0 : i32
      %dma_wait3A_72 = arith.constant 0 : i32
      %dma_wait3A_73 = tpu.memref_slice %arg7[%dma_wait3A_71, %dma_wait3A_72] : memref<10000x136xf32, #tpu.memory_space<vmem_shared>> -> memref<10000x136xf32, #tpu.memory_space<vmem_shared>>
      tpu.wait_indirect_dma semaphore(%run_scoped3A_61 : memref<!tpu.dma_semaphore, #tpu.memory_space<semaphore_mem>>) src(%arg9 : memref<80x136xf32, #tpu.memory_space<vmem>>) dst(%dma_wait3A_73 : memref<10000x136xf32, #tpu.memory_space<vmem_shared>>)
      tpu.yield
    }) : () -> ()
    %barrier3A_55 = arith.constant 0 : index
    tpu.barrier barrier_id(%barrier3A_55)
    %mul3A_56 = arith.constant 625 : i32
    %mul3A_57 = arith.muli %arg1, %mul3A_56 : i32
    %mul3A_58 = arith.constant 10000 : i32
    %mul3A_59 = arith.muli %arg0, %mul3A_58 : i32
    %add3A_60 = arith.addi %mul3A_59, %mul3A_57 : i32
    "tpu.region"() ({
      %run_scoped3A_61 = tpu.sem_alloc : memref<!tpu.dma_semaphore, #tpu.memory_space<semaphore_mem>>
      %dma_start3A_62 = arith.constant 0 : i32
      %dma_start3A_63 = tpu.memref_slice %arg6[%add3A_60, %dma_start3A_62] : memref<20000x136xf32, #tpu.memory_space<hbm>> -> memref<625x136xf32, #tpu.memory_space<hbm>>
      %dma_start3A_64 = arith.constant 0 : i32
      %dma_start3A_65 = tpu.memref_slice %arg7[%mul3A_57, %dma_start3A_64] : memref<10000x136xf32, #tpu.memory_space<vmem_shared>> -> memref<625x136xf32, #tpu.memory_space<vmem_shared>>
      tpu.enqueue_dma source(%dma_start3A_65 : memref<625x136xf32, #tpu.memory_space<vmem_shared>>) target(%dma_start3A_63 : memref<625x136xf32, #tpu.memory_space<hbm>>) target_semaphore(%run_scoped3A_61 : memref<!tpu.dma_semaphore, #tpu.memory_space<semaphore_mem>>)
      %dma_wait3A_66 = arith.constant 0 : i32
      %dma_wait3A_67 = tpu.memref_slice %arg6[%add3A_60, %dma_wait3A_66] : memref<20000x136xf32, #tpu.memory_space<hbm>> -> memref<625x136xf32, #tpu.memory_space<hbm>>
      %dma_wait3A_68 = arith.constant 0 : i32
      %dma_wait3A_69 = tpu.memref_slice %arg7[%mul3A_57, %dma_wait3A_68] : memref<10000x136xf32, #tpu.memory_space<vmem_shared>> -> memref<625x136xf32, #tpu.memory_space<vmem_shared>>
      tpu.wait_dma2 semaphore(%run_scoped3A_61 : memref<!tpu.dma_semaphore, #tpu.memory_space<semaphore_mem>>) src(%dma_wait3A_69 : memref<625x136xf32, #tpu.memory_space<vmem_shared>>) dst(%dma_wait3A_67 : memref<625x136xf32, #tpu.memory_space<hbm>>)
      tpu.yield
    }) : () -> ()
    return
  }
}

module attributes {stable_mosaic.version = 14 : i64} {
  func.func @_mid_body(%arg0: i32, %arg1: memref<2x2000x136xf32, #tpu.memory_space<vmem>>, %arg2: memref<2000x136xf32, #tpu.memory_space<vmem>>) attributes {dimension_semantics = [#tpu.dimension_semantics<arbitrary>], iteration_bounds = array<i64: 5>, scalar_prefetch = 0 : i64, scratch_operands = 0 : i64, tpu.core_type = #tpu.core_type<tc>, window_params = [{transform_indices = @transform_0, window_bounds = array<i64: 2, 2000, 136>}, {transform_indices = @transform_1, window_bounds = array<i64: 2000, 136>}]} {
    %get3A = arith.constant 0 : index
    %get3A_0 = arith.constant 0 : index
    %get3A_1 = arith.constant 0 : index
    %get3A_2 = vector.load %arg1[%get3A, %get3A_0, %get3A_1] : memref<2x2000x136xf32, #tpu.memory_space<vmem>>, vector<2x2000x136xf32>
    %slice3A = vector.extract_strided_slice %get3A_2 {offsets = [0, 0, 0], sizes = [1, 2000, 136], strides = [1, 1, 1]} : vector<2x2000x136xf32> to vector<1x2000x136xf32>
    %squeeze3A = vector.shape_cast %slice3A : vector<1x2000x136xf32> to vector<2000x136xf32>
    %slice3A_3 = vector.extract_strided_slice %get3A_2 {offsets = [1, 0, 0], sizes = [1, 2000, 136], strides = [1, 1, 1]} : vector<2x2000x136xf32> to vector<1x2000x136xf32>
    %squeeze3A_4 = vector.shape_cast %slice3A_3 : vector<1x2000x136xf32> to vector<2000x136xf32>
    %add3A = arith.addf %squeeze3A, %squeeze3A_4 : vector<2000x136xf32>
    %slice3A_5 = vector.extract_strided_slice %add3A {offsets = [0, 128], sizes = [2000, 1], strides = [1, 1]} : vector<2000x136xf32> to vector<2000x1xf32>
    %squeeze3A_6 = vector.shape_cast %slice3A_5 : vector<2000x1xf32> to vector<2000xf32>
    %gt3A = arith.constant 0.000000e+00 : f32
    %gt3A_7 = vector.broadcast %gt3A : f32 to vector<2000xf32>
    %gt3A_8 = arith.cmpf ogt, %squeeze3A_6, %gt3A_7 : vector<2000xf32>
    %div3A = arith.constant 1.000000e+00 : f32
    %div3A_9 = vector.broadcast %div3A : f32 to vector<2000xf32>
    %div3A_10 = arith.divf %div3A_9, %squeeze3A_6 : vector<2000xf32>
    %jit3A = arith.constant 0.000000e+00 : f32
    %broadcast_in_dim3A = vector.broadcast %jit3A : f32 to vector<2000xf32>
    %select_n3A = arith.select %gt3A_8, %div3A_10, %broadcast_in_dim3A : vector<2000xi1>, vector<2000xf32>
    %slice3A_11 = vector.extract_strided_slice %add3A {offsets = [0, 0], sizes = [2000, 128], strides = [1, 1]} : vector<2000x136xf32> to vector<2000x128xf32>
    %broadcast_in_dim3A_12 = vector.shape_cast %select_n3A : vector<2000xf32> to vector<2000x1xf32>
    %mul3A = vector.broadcast %broadcast_in_dim3A_12 : vector<2000x1xf32> to vector<2000x128xf32>
    %mul3A_13 = arith.mulf %slice3A_11, %mul3A : vector<2000x128xf32>
    %broadcast_in_dim3A_14 = arith.constant 1.000000e+00 : f32
    %broadcast_in_dim3A_15 = vector.broadcast %broadcast_in_dim3A_14 : f32 to vector<2000x1xf32>
    %broadcast_in_dim3A_16 = arith.constant 0.000000e+00 : f32
    %broadcast_in_dim3A_17 = vector.broadcast %broadcast_in_dim3A_16 : f32 to vector<2000x7xf32>
    %concatenate3A = tpu.concatenate %broadcast_in_dim3A_15, %broadcast_in_dim3A_17 in 1 : vector<2000x1xf32>, vector<2000x7xf32> -> vector<2000x8xf32>
    %concatenate3A_18 = tpu.concatenate %mul3A_13, %concatenate3A in 1 : vector<2000x128xf32>, vector<2000x8xf32> -> vector<2000x136xf32>
    %swap3A = arith.constant 0 : index
    %swap3A_19 = arith.constant 0 : index
    %swap3A_20 = vector.load %arg2[%swap3A, %swap3A_19] : memref<2000x136xf32, #tpu.memory_space<vmem>>, vector<2000x136xf32>
    tpu.vector_store %arg2[%swap3A, %swap3A_19], %concatenate3A_18 {strides = array<i32>} : memref<2000x136xf32, #tpu.memory_space<vmem>>, vector<2000x136xf32>,
    return
  }
  func.func @transform_0(%arg0: i32) -> (i32, i32, i32) {
    %c0_i32 = arith.constant 0 : i32
    %c0_i32_0 = arith.constant 0 : i32
    %c0_i32_1 = arith.constant 0 : i32
    return %c0_i32, %arg0, %c0_i32_0 : i32, i32, i32
  }
  func.func @transform_1(%arg0: i32) -> (i32, i32) {
    %c0_i32 = arith.constant 0 : i32
    %c0_i32_0 = arith.constant 0 : i32
    return %arg0, %c0_i32 : i32, i32
  }
}

module attributes {stable_mosaic.version = 14 : i64} {
  func.func @_final_body(%arg0: i32, %arg1: memref<2x2000x136xf32, #tpu.memory_space<vmem>>, %arg2: memref<128x128xf32, #tpu.memory_space<vmem>>, %arg3: memref<1x128xf32, #tpu.memory_space<vmem>>, %arg4: memref<128x128xf32, #tpu.memory_space<vmem>>, %arg5: memref<1x128xf32, #tpu.memory_space<vmem>>, %arg6: memref<2000x128xf32, #tpu.memory_space<vmem>>) attributes {dimension_semantics = [#tpu.dimension_semantics<arbitrary>], iteration_bounds = array<i64: 5>, scalar_prefetch = 0 : i64, scratch_operands = 0 : i64, tpu.core_type = #tpu.core_type<tc>, window_params = [{transform_indices = @transform_0, window_bounds = array<i64: 2, 2000, 136>}, {pipeline_mode = #tpu.pipeline_mode<synchronous>, transform_indices = @transform_1, window_bounds = array<i64: 128, 128>}, {pipeline_mode = #tpu.pipeline_mode<synchronous>, transform_indices = @transform_2, window_bounds = array<i64: 1, 128>}, {pipeline_mode = #tpu.pipeline_mode<synchronous>, transform_indices = @transform_3, window_bounds = array<i64: 128, 128>}, {pipeline_mode = #tpu.pipeline_mode<synchronous>, transform_indices = @transform_4, window_bounds = array<i64: 1, 128>}, {transform_indices = @transform_5, window_bounds = array<i64: 2000, 128>}]} {
    %get3A = arith.constant 0 : index
    %get3A_0 = arith.constant 0 : index
    %get3A_1 = arith.constant 0 : index
    %get3A_2 = vector.load %arg1[%get3A, %get3A_0, %get3A_1] : memref<2x2000x136xf32, #tpu.memory_space<vmem>>, vector<2x2000x136xf32>
    %slice3A = vector.extract_strided_slice %get3A_2 {offsets = [0, 0, 0], sizes = [1, 2000, 136], strides = [1, 1, 1]} : vector<2x2000x136xf32> to vector<1x2000x136xf32>
    %squeeze3A = vector.shape_cast %slice3A : vector<1x2000x136xf32> to vector<2000x136xf32>
    %slice3A_3 = vector.extract_strided_slice %get3A_2 {offsets = [1, 0, 0], sizes = [1, 2000, 136], strides = [1, 1, 1]} : vector<2x2000x136xf32> to vector<1x2000x136xf32>
    %squeeze3A_4 = vector.shape_cast %slice3A_3 : vector<1x2000x136xf32> to vector<2000x136xf32>
    %add3A = arith.addf %squeeze3A, %squeeze3A_4 : vector<2000x136xf32>
    %slice3A_5 = vector.extract_strided_slice %add3A {offsets = [0, 128], sizes = [2000, 1], strides = [1, 1]} : vector<2000x136xf32> to vector<2000x1xf32>
    %squeeze3A_6 = vector.shape_cast %slice3A_5 : vector<2000x1xf32> to vector<2000xf32>
    %gt3A = arith.constant 0.000000e+00 : f32
    %gt3A_7 = vector.broadcast %gt3A : f32 to vector<2000xf32>
    %gt3A_8 = arith.cmpf ogt, %squeeze3A_6, %gt3A_7 : vector<2000xf32>
    %div3A = arith.constant 1.000000e+00 : f32
    %div3A_9 = vector.broadcast %div3A : f32 to vector<2000xf32>
    %div3A_10 = arith.divf %div3A_9, %squeeze3A_6 : vector<2000xf32>
    %jit3A = arith.constant 0.000000e+00 : f32
    %broadcast_in_dim3A = vector.broadcast %jit3A : f32 to vector<2000xf32>
    %select_n3A = arith.select %gt3A_8, %div3A_10, %broadcast_in_dim3A : vector<2000xi1>, vector<2000xf32>
    %slice3A_11 = vector.extract_strided_slice %add3A {offsets = [0, 0], sizes = [2000, 128], strides = [1, 1]} : vector<2000x136xf32> to vector<2000x128xf32>
    %broadcast_in_dim3A_12 = vector.shape_cast %select_n3A : vector<2000xf32> to vector<2000x1xf32>
    %mul3A = vector.broadcast %broadcast_in_dim3A_12 : vector<2000x1xf32> to vector<2000x128xf32>
    %mul3A_13 = arith.mulf %slice3A_11, %mul3A : vector<2000x128xf32>
    %get3A_14 = arith.constant 0 : index
    %get3A_15 = arith.constant 0 : index
    %get3A_16 = vector.load %arg2[%get3A_14, %get3A_15] : memref<128x128xf32, #tpu.memory_space<vmem>>, vector<128x128xf32>
    %dot_general3A = arith.constant dense<0.000000e+00> : vector<2000x128xf32>
    %dot_general3A_17 = tpu.matmul %mul3A_13, %get3A_16, %dot_general3A {dimension_numbers = #tpu.dot_dimension_numbers<[1], [1], [0], [0], [0, 0, 1, 0], [], []>, transpose_lhs_hint = false} : vector<2000x128xf32>, vector<128x128xf32>, vector<2000x128xf32> -> vector<2000x128xf32>
    %get3A_18 = arith.constant 0 : index
    %get3A_19 = arith.constant 0 : index
    %get3A_20 = vector.load %arg3[%get3A_18, %get3A_19] : memref<1x128xf32, #tpu.memory_space<vmem>>, vector<1x128xf32>
    %add3A_21 = vector.broadcast %get3A_20 : vector<1x128xf32> to vector<2000x128xf32>
    %add3A_22 = arith.addf %dot_general3A_17, %add3A_21 : vector<2000x128xf32>
    %get3A_23 = arith.constant 0 : index
    %get3A_24 = arith.constant 0 : index
    %get3A_25 = vector.load %arg4[%get3A_23, %get3A_24] : memref<128x128xf32, #tpu.memory_space<vmem>>, vector<128x128xf32>
    %dot_general3A_26 = arith.constant dense<0.000000e+00> : vector<2000x128xf32>
    %dot_general3A_27 = tpu.matmul %add3A_22, %get3A_25, %dot_general3A_26 {dimension_numbers = #tpu.dot_dimension_numbers<[1], [1], [0], [0], [0, 0, 1, 0], [], []>, transpose_lhs_hint = false} : vector<2000x128xf32>, vector<128x128xf32>, vector<2000x128xf32> -> vector<2000x128xf32>
    %get3A_28 = arith.constant 0 : index
    %get3A_29 = arith.constant 0 : index
    %get3A_30 = vector.load %arg5[%get3A_28, %get3A_29] : memref<1x128xf32, #tpu.memory_space<vmem>>, vector<1x128xf32>
    %add3A_31 = vector.broadcast %get3A_30 : vector<1x128xf32> to vector<2000x128xf32>
    %add3A_32 = arith.addf %dot_general3A_27, %add3A_31 : vector<2000x128xf32>
    %reduce_max3A = arith.constant dense<0xFF800000> : vector<2000xf32>
    %reduce_max3A_33 = vector.multi_reduction <maximumf>, %add3A_32, %reduce_max3A [1] : vector<2000x128xf32> to vector<2000xf32>
    %broadcast_in_dim3A_34 = vector.shape_cast %reduce_max3A_33 : vector<2000xf32> to vector<2000x1xf32>
    %sub3A = vector.broadcast %broadcast_in_dim3A_34 : vector<2000x1xf32> to vector<2000x128xf32>
    %sub3A_35 = arith.subf %add3A_32, %sub3A : vector<2000x128xf32>
    %exp3A = math.exp %sub3A_35 : vector<2000x128xf32>
    %reduce_sum3A = arith.constant dense<0.000000e+00> : vector<2000xf32>
    %reduce_sum3A_36 = vector.multi_reduction <add>, %exp3A, %reduce_sum3A [1] : vector<2000x128xf32> to vector<2000xf32>
    %broadcast_in_dim3A_37 = vector.shape_cast %reduce_sum3A_36 : vector<2000xf32> to vector<2000x1xf32>
    %div3A_38 = vector.broadcast %broadcast_in_dim3A_37 : vector<2000x1xf32> to vector<2000x128xf32>
    %div3A_39 = arith.divf %exp3A, %div3A_38 : vector<2000x128xf32>
    %swap3A = arith.constant 0 : index
    %swap3A_40 = arith.constant 0 : index
    %swap3A_41 = vector.load %arg6[%swap3A, %swap3A_40] : memref<2000x128xf32, #tpu.memory_space<vmem>>, vector<2000x128xf32>
    tpu.vector_store %arg6[%swap3A, %swap3A_40], %div3A_39 {strides = array<i32>} : memref<2000x128xf32, #tpu.memory_space<vmem>>, vector<2000x128xf32>,
    return
  }
  func.func @transform_0(%arg0: i32) -> (i32, i32, i32) {
    %c0_i32 = arith.constant 0 : i32
    %c0_i32_0 = arith.constant 0 : i32
    %c0_i32_1 = arith.constant 0 : i32
    return %c0_i32, %arg0, %c0_i32_0 : i32, i32, i32
  }
  func.func @transform_1(%arg0: i32) -> (i32, i32) {
    %c0_i32 = arith.constant 0 : i32
    %c0_i32_0 = arith.constant 0 : i32
    %c0_i32_1 = arith.constant 0 : i32
    return %c0_i32, %c0_i32_0 : i32, i32
  }
  func.func @transform_2(%arg0: i32) -> (i32, i32) {
    %c0_i32 = arith.constant 0 : i32
    %c0_i32_0 = arith.constant 0 : i32
    %c0_i32_1 = arith.constant 0 : i32
    return %c0_i32, %c0_i32_0 : i32, i32
  }
  func.func @transform_3(%arg0: i32) -> (i32, i32) {
    %c0_i32 = arith.constant 0 : i32
    %c0_i32_0 = arith.constant 0 : i32
    %c0_i32_1 = arith.constant 0 : i32
    return %c0_i32, %c0_i32_0 : i32, i32
  }
  func.func @transform_4(%arg0: i32) -> (i32, i32) {
    %c0_i32 = arith.constant 0 : i32
    %c0_i32_0 = arith.constant 0 : i32
    %c0_i32_1 = arith.constant 0 : i32
    return %c0_i32, %c0_i32_0 : i32, i32
  }
  func.func @transform_5(%arg0: i32) -> (i32, i32) {
    %c0_i32 = arith.constant 0 : i32
    %c0_i32_0 = arith.constant 0 : i32
    return %arg0, %c0_i32 : i32, i32
  }
}

</mosaic_0001>

<sc_bundles>
// kernel: kernel.6.cloned.1.call-start
scs
__scs_entry_jumppad:
0x0: {  	(pc) =	sbr.rel $0x88, $3  }
0x1: {  	(tag) =	ssettag $0x0;
	lr =	simm.s32 $0x1  }
0x2: {  	[smem:$0x3F9B] =	sst lr;
	_ =	strace $0xD0000000  }
0x3: {  	_ = 	snop  }
0x4: {  	_ = 	snop  }
0x5: {  	_ = 	snop  }
0x6: {  	_ = 	snop  }
0x7: {  	_ = 	snop  }
__scs_overlays_trampoline_lowered:
0x8: {  	[smem:$0x3FAA] =	sst s0  }
0x9: {  	[smem:$0x3FAB] =	sst s1  }
0xa: {  	[smem:$0x3FAC] =	sst s2  }
0xb: {  	[smem:$0x3FAD] =	sst s3  }
0xc: {  	[smem:$0x3FAE] =	sst s4  }
0xd: {  	[smem:$0x3FAF] =	sst s5  }
0xe: {  	[smem:$0x3FB0] =	sst s6  }
0xf: {  	[smem:$0x3FB1] =	sst s7  }
0x10: {  	[smem:$0x3FB2] =	sst s8  }
0x11: {  	[smem:$0x3FB3] =	sst s9;
	s0 =	simm.s32 @!p0 $0x0  }
0x12: {  	s1 =	sld [smem:$0x3F99];
	s0 =	simm.s32 @p0 $0x1  }
0x13: {  	[smem:$0x3FB4] =	sst s0;
	s0 =	simm.s32 @!p1 $0x0  }
0x14: {  	s2 =	sld [smem:$0x3F98];
	s0 =	simm.s32 @p1 $0x1  }
0x15: {  	[smem:$0x3FB5] =	sst s0;
	s0 =	simm.s32 @!p2 $0x0  }
0x16: {  	s3 =	sld [smem:$0x3FDB];
	s0 =	simm.s32 @p2 $0x1  }
0x17: {  	s4 =	simm.s32 $0x1BF5;
	[smem:$0x3FB7] =	sst s0  }
0x18: {  	s0 =	sld [smem:$0x3F9A];
	_ =	swait.ge [sflag:s4], $0x0  }
0x19: {  	s7 =	sld [smem:$0x3F9B]  }
0x1a: {  	s8 =	sadd.s32 $0xFFFFE003, lr  }
0x1b: {  	s9 =	sadd.s32 $0xFFFFFEF7, lr;
	s5 =	simm.s32 $0xFFFFFFFF;
	p2 =	slt.u32 s8, $0xFFFFF086  }
0x1c: {  	p1 =	slt.u32 s9, $0xF7A;
	s5 =	simm.s32 @!p2 $0x0  }
0x1d: {  	s5 =	simm.s32 @p1 $0x1;
	p0 =	seq.s32 s7, s2  }
0x1e: {  	s7 =	smul.u32 @!p0 $0xF7A, s2;
	p2 =	seq.s32 @!p0 s5, $0x0  }
0x1f: {  	s9 =	smul.u32 $0xF7A, s1;
	s8 =	simm.s32 @!p0 $0x1BF5;
	p2 =	por !p2, p0  }
0x20: {  	[sflag:s8] =	ssyncset.s32 @!p0 $0xFFFFF086;
	s6 =	sadd.s32 @!p0 s3, s7;
	s7 =	simm.s32 @!p0 $0x108  }
0x21: {  	s3 =	sadd.s32 s3, s9;
	s6 =	sadd.s32 @!p0 $0x88, s6;
	s7 =	simm.s32 @p2 $0x1082  }
0x22: {  	[simem:s7], [sflag:s8] =	dma.local @!p0 [hbm:s6], $0xF7A  }
0x23: {  	s9 =	sor.u32 $0xD0000000, s2;
	s6 =	simm.s32 $0x108;
	_ =	swait.ge @!p0 [sflag:s8], $0x0  }
0x24: {  	s3 =	sadd.s32 $0x88, s3;
	s6 =	simm.s32 @!p1 $0x1082;
	[sflag:s4] =	ssyncset.s32 $0xFFFFF086  }
0x25: {  	[simem:s6], [sflag:s4] =	dma.local [hbm:s3], $0xF7A  }
0x26: {  	[smem:$0x3F9B] =	sst s1;
	(tag) =	ssettag s2;
	_ =	strace s9  }
0x27: {  	s1 =	sld [smem:$0x3FAB]  }
0x28: {  	s2 =	sld [smem:$0x3FAC]  }
0x29: {  	s4 =	sld [smem:$0x3FAE]  }
0x2a: {  	p0 =	seq.s32 s5, $0x0;
	s5 =	sld [smem:$0x3FAF]  }
0x2b: {  	s6 =	sld [smem:$0x3FB0]  }
0x2c: {  	s7 =	sld [smem:$0x3FB1]  }
0x2d: {  	s3 =	simm.s32 $0x108;
	s8 =	sld [smem:$0x3FB2]  }
0x2e: {  	s3 =	simm.s32 @!p0 $0x1082;
	s9 =	sld [smem:$0x3FB3]  }
0x2f: {  	lr =	sadd.s32 s0, s3;
	s0 =	sld [smem:$0x3FAA]  }
0x30: {  	s3 =	sld [smem:$0x3FAD]  }
0x31: {  	[smem:$0x3FB6] =	sst s10  }
0x32: {  	s10 =	sld [smem:$0x3FB4];
	_ =	sdelay $0x3  }
0x33: {  	p0 =	seq.s32 s10, $0x1;
	s10 =	sld [smem:$0x3FB6];
	_ =	sdelay $0x3  }
0x34: {  	[smem:$0x3FB6] =	sst s10  }
0x35: {  	s10 =	sld [smem:$0x3FB5];
	_ =	sdelay $0x3  }
0x36: {  	p1 =	seq.s32 s10, $0x1;
	s10 =	sld [smem:$0x3FB6];
	_ =	sdelay $0x3  }
0x37: {  	[smem:$0x3FB6] =	sst s10  }
0x38: {  	s10 =	sld [smem:$0x3FB7]  }
0x39: {  	_ = 	snop;
	(pc) =	sbr.ind lr, $3  }
0x3a: {  	_ = 	snop  }
0x3b: {  	_ = 	snop  }
0x3c: {  	p2 =	seq.s32 s10, $0x1;
	s10 =	sld [smem:$0x3FB6]  }
0x3d: {  	_ =	shalt  }
0x3e: {  	_ =	shalt  }
0x3f: {  	_ =	shalt  }
0x40: {  	_ =	shalt  }
0x41: {  	_ =	shalt  }
0x42: {  	_ =	shalt  }
0x43: {  	_ =	shalt  }
0x44: {  	_ =	shalt  }
0x45: {  	_ =	shalt  }
0x46: {  	_ =	shalt  }
0x47: {  	_ =	shalt  }
0x48: {  	_ =	shalt  }
0x49: {  	_ =	shalt  }
0x4a: {  	_ =	shalt  }
0x4b: {  	_ =	shalt  }
0x4c: {  	_ =	shalt  }
0x4d: {  	_ =	shalt  }
0x4e: {  	_ =	shalt  }
0x4f: {  	_ =	shalt  }
0x50: {  	_ =	shalt  }
0x51: {  	_ =	shalt  }
0x52: {  	_ =	shalt  }
0x53: {  	_ =	shalt  }
0x54: {  	_ =	shalt  }
0x55: {  	_ =	shalt  }
0x56: {  	_ =	shalt  }
0x57: {  	_ =	shalt  }
0x58: {  	_ =	shalt  }
0x59: {  	_ =	shalt  }
0x5a: {  	_ =	shalt  }
0x5b: {  	_ =	shalt  }
0x5c: {  	_ =	shalt  }
0x5d: {  	_ =	shalt  }
0x5e: {  	_ =	shalt  }
0x5f: {  	_ =	shalt  }
0x60: {  	_ =	shalt  }
0x61: {  	_ =	shalt  }
0x62: {  	_ =	shalt  }
0x63: {  	_ =	shalt  }
0x64: {  	_ =	shalt  }
0x65: {  	_ =	shalt  }
0x66: {  	_ =	shalt  }
0x67: {  	_ =	shalt  }
0x68: {  	_ =	shalt  }
0x69: {  	_ =	shalt  }
0x6a: {  	_ =	shalt  }
0x6b: {  	_ =	shalt  }
0x6c: {  	_ =	shalt  }
0x6d: {  	_ =	shalt  }
0x6e: {  	_ =	shalt  }
0x6f: {  	_ =	shalt  }
0x70: {  	_ =	shalt  }
0x71: {  	_ =	shalt  }
0x72: {  	_ =	shalt  }
0x73: {  	_ =	shalt  }
0x74: {  	_ =	shalt  }
0x75: {  	_ =	shalt  }
0x76: {  	_ =	shalt  }
0x77: {  	_ =	shalt  }
0x78: {  	_ =	shalt  }
0x79: {  	_ =	shalt  }
0x7a: {  	_ =	shalt  }
0x7b: {  	_ =	shalt  }
0x7c: {  	_ =	shalt  }
0x7d: {  	_ =	shalt  }
0x7e: {  	_ =	shalt  }
0x7f: {  	_ =	shalt  }
0x80: {  	_ =	shalt  }
0x81: {  	_ =	shalt  }
0x82: {  	_ =	shalt  }
0x83: {  	_ =	shalt  }
0x84: {  	_ =	shalt  }
0x85: {  	_ =	shalt  }
0x86: {  	_ =	shalt  }
0x87: {  	_ =	shalt  }
.Lfunc_end0:
.L_simem_size_0:
called_computation_lowered:
.L_overlay_start_0:
0x88: {  	s2 =	sld [smem:$0x3FD9]  }
0x89: {  	s3 =	sld [smem:$0x3FFE];
	_ =	sdelay $0x1  }
0x8a: {  	s1 =	srdreg.scid  }
0x8b: {  	s0 =	sand.u32 $0x1, s1  }
0x8c: {  	s17 =	sshll.u32 s0, $0xA;
	s2 =	sadd.s32 s3, s2  }
0x8d: {  	s2 =	sadd.s32 s2, s17  }
0x8e: {  	[smem:$0x3FC2] =	sst s2  }
0x8f: {  	_ = 	snop  }
0x90: {  	s2 =	sld [smem:$0x3FD0];
	(tm) =	ssettm $0x1  }
0x91: {  	s18 =	sld [smem:$0x3FFB];
	_ =	sdelay $0x3  }
0x92: {  	_ =	strace s18  }
0x93: {  	s3 =	sld [smem:$0x3FFC];
	_ =	sdelay $0x3  }
0x94: {  	_ =	strace s3  }
0x95: {  	s3 =	sld [smem:$0x3FFD];
	_ =	sdelay $0x3  }
0x96: {  	_ =	strace s3  }
0x97: {  	_ =	strace $0x8FFFFFFF  }
0x98: {  	s19 =	sld [smem:$0x3FDB];
	_ =	sdelay $0x1  }
0x99: {  	s4 =	simm.s32 $_scs_section_size  }
0x9a: {  	s5 =	simm.s32 $_size__tile_overlayer_lowered;
	s6 =	simm.s32 $_tile_overlayer_lowered  }
0x9b: {  	s22 =	simm.s32 $0x1BFF;
	s21 =	sshll.u32 s6, $0x1;
	s3 =	sadd.s32 s4, s19  }
0x9c: {  	s7 =	simm.s32 $0x0;
	s20 =	sshll.u32 s5, $0x1;
	s5 =	sadd.s32 s21, s3  }
0x9d: {  	[timem:s7], [sflag:s22] =	dma.local [hbm:s5], s20  }
0x9e: {  	_ =	swait.ge [sflag:s22], s20  }
0x9f: {  	s4 =	ssub.s32 $0x0, s20;
	[sflag:s22] =	ssyncset.done $0x0  }
0xa0: {  	[sflag:s22] =	ssyncadd.s32 s4;
	_ =	sdelay $0x1  }
0xa1: {  	s23 =	simm.s32 $0x1B8B  }
0xa2: {  	_ =	swait.ge [sflag:s23], $0x1  }
0xa3: {  	[sflag:s23] =	ssyncset.done $0x0  }
0xa4: {  	s25 =	simm.s32 $0x1B8E;
	s24 =	sld [smem:$0x3FFE];
	[sflag:s23] =	ssyncadd.s32 $0xFFFFFFFF  }
0xa5: {  	s26 =	simm.s32 $execute0_lowered;
	[smem:$0x3FD2] =	sst s25  }
0xa6: {  	s5 =	sshll.u32 s26, $0x1;
	_ =	strace $0x80000046;
	[dreg:$0x1] =	wrdreg $0xFFFFFFFF  }
0xa7: {  	s28 =	simm.s32 $_size_execute0_lowered;
	s3 =	sadd.s32 s3, s5;
	[dreg:$0x0] =	wrdreg $0x0  }
0xa8: {  	s5 =	sshll.u32 s28, $0x1;
	[dreg:$0x2] =	wrdreg s3  }
0xa9: {  	[dreg:$0x3] =	wrdreg s5  }
0xaa: {  	[dreg:$0x4] =	wrdreg $0xC0  }
0xab: {  	_ =	task [dreg:s7], $0x5FFFF  }
0xac: {  	[dreg:$0x1] =	wrdreg $0xFFFFFFFF  }
0xad: {  	[dreg:$0x0] =	wrdreg $0x60  }
0xae: {  	[dreg:$0x2] =	wrdreg s24  }
0xaf: {  	[dreg:$0x3] =	wrdreg s2  }
0xb0: {  	[dreg:$0x4] =	wrdreg $0x0  }
0xb1: {  	[dreg:$0x5] =	wrdreg $0x9  }
0xb2: {  	_ =	task.clear_ibuf [dreg:s7], $0x6FFFF;
	_ =	strace $0x90000046  }
0xb3: {  	s29 =	simm.s32 $0x9;
	_ =	strace $0x80000048  }
0xb4: {  	_ =	swait.ge [sflag:s29], $0x1  }
0xb5: {  	[sflag:s29] =	ssyncadd.s32 $0xFFFFFFFF  }
0xb6: {  	_ =	strace $0x90000048  }
0xb7: {  	_ =	sfence  }
0xb8: {  	s30 =	sld [smem:$0x0];
	_ =	sdelay $0x2  }
0xb9: {  	s31 =	sshll.u32 s1, $0xD;
	s1 =	sshrl.u32 s1, $0x2  }
0xba: {  	s3 =	sand.u32 $0x4000, s31;
	s1 =	sadd.s32 s1, s30  }
0xbb: {  	s0 =	sor.u32 s3, s0;
	s1 =	sshll.u32 s1, $0x11  }
0xbc: {  	s0 =	sor.u32 s1, s0  }
0xbd: {  	s0 =	sadd.s32 $0x8F2B, s0  }
0xbe: {  	[sflag:s0] =	ssyncadd.remote.s32 $0x1  }
0xbf: {  	_ =	sfence.sel $0xFFFF  }
0xc0: {  	[dreg:$0x0] =	wrdreg $0xFFFFFFFF;
	(pc) =	sbr.abs _section_cstart, $3  }
0xc1: {  	[dreg:$0x1] =	wrdreg $0xFFFFFFFF  }
0xc2: {  	_ =	task.clear_ibuf [dreg:s7], $0x2FFFF;
	_ =	strace $0x9FFFFFFF  }
0xc3: {  	(tm) =	ssettm $0x7FFFFFFF  }
tec
execute0_lowered:
.L_overlay_start_1:
0x0: {  	(tag) =	ssettag $0x1  }
0x1: {  	s0 =	rddreg [dreg:$0x0]  }
0x2: {  	s10 =	rddreg [dreg:$0x1]  }
0x3: {  	s2 =	rddreg [dreg:$0x2]  }
0x4: {  	s4 =	srdreg.scid;
	s1 =	stileid.u32  }
0x5: {  	s3 =	simm.s32 $0x0;
	s14 =	simm.s32 $0x4;
	s15 =	simm.s32 $0x1CB88  }
0x6: {  	s16 =	simm.s32 $0x1DF38;
	s17 =	simm.s32 $0x50;
	s18 =	simm.s32 $0x14C08  }
0x7: {  	s19 =	simm.s32 $0x1CBD8;
	s20 =	simm.s32 $0x17688;
	s21 =	simm.s32 $0x1A108  }
0x8: {  	s22 =	simm.s32 $0x1;
	s23 =	simm.s32 $0x2;
	s28 =	simm.s32 $0x1F248  }
0x9: {  	s30 =	simm.s32 $0x0;
	s6 =	sand.u32 $0x1, s4;
	s7 =	smul.u32 $0x2981, s1  }
0xa: {  	[smem:$0x7FF] =	sst s3;
	s4 =	sadd.s32 $0xA800, s0;
	s9 =	sadd.s32 $0xA00, s0  }
0xb: {  	s5 =	sadd.s32 $0x34200, s0;
	s11 =	smul.u32 $0x53020, s1;
	s29 =	sshll.u32 s1, $0x6  }
0xc: {  	s8 =	smul.u32 $0x29810, s6;
	s24 =	sshll.u32 s6, $0x4;
	s6 =	ssub.s32 $0x2, s6  }
0xd: {  	_ =	strace $0x80000047;
	s25 =	sshrl.u32 s6, $0x1;
	s26 =	sshrl.u32 s11, $0x2  }
0xe: {  	s7 =	sadd.s32 s7, s8;
	s8 =	sor.u32 s1, s24;
	s12 =	ssub.s32 s6, s25  }
0xf: {  	s13 =	sadd.s32 s26, s2;
	s6 =	sor.u32 $0x1C04, s29;
	s8 =	smul.u32 $0x2710, s8  }
0x10: {  	s24 =	simm.s32 $0x3;
	s26 =	simm.s32 $0x1F1F8;
	s0 =	sadd.s32 s7, s0  }
0x11: {  	s12 =	smax.u32 s12, $0x1;
	s13 =	sshrl.u32 s13, $0x3;
	s31 =	sshrl.u32 s8, $0x3  }
0x12: {  	s7 =	sadd.s32 s9, s31;
	s8 =	sadd.s32 s10, s31;
	s11 =	sadd.s32 $0x276, s31  }
0x13: {  	s9 =	sadd.s32 s9, s11;
	s10 =	sadd.s32 s10, s11;
	s11 =	sadd.s32 $0x36C00, s0  }
.LBB2_1:
0x14: {  	[spmem:s13], [sflag:s6] =	dma.local [hbm:s5], $0x2981  }
0x15: {  	_ =	swait.ge [sflag:s14], $0x2981  }
0x16: {  	[sflag:s14] =	ssyncset.done $0x0  }
0x17: {  	[sflag:s14] =	ssyncadd.s32 $0xFFFFD67F  }
0x18: {  	[tilespmem:s15], [sflag:$0x4] =	stream.linear.gather [hbm4b:s7+s3], $0x13B0, $0x38;
	[tilespmem:$0x1F2E8] =	vst v63  }
0x19: {  	_ =	swait.ge [sflag:s14], $0x13B0  }
0x1a: {  	[sflag:s14] =	ssyncset.done $0x0  }
0x1b: {  	[sflag:s14] =	ssyncadd.s32 $0xFFFFEC50  }
0x1c: {  	[tilespmem:s16], [sflag:$0x4] =	stream.linear.gather [hbm4b:s8+s3], $0x13B0, $0x38;
	[tilespmem:$0x1F2E8] =	vst v63  }
0x1d: {  	_ =	swait.ge [sflag:s14], $0x13B0  }
0x1e: {  	[sflag:s14] =	ssyncset.done $0x0  }
0x1f: {  	[sflag:s14] =	ssyncadd.s32 $0xFFFFEC50  }
0x20: {  	[bflag:$0x0] =	sbarrier.arrive $0xFFFF  }
0x21: {  	[tilespmem:s18], [sflag:$0x1] =	stream.indirect.gather [hbm4b:s4+s17], $0x88, s15, s17, $0xb8;
	[tilespmem:$0x1F2E8] =	vst v63  }
0x22: {  	_ = 	snop  }
0x23: {  	[tilespmem:s20], [sflag:$0x2] =	stream.indirect.gather [hbm4b:s4+s17], $0x88, s19, s17, $0xb8;
	[tilespmem:$0x1F2E8] =	vst v63  }
0x24: {  	s0 =	simm.s32 $0x1CC28  }
0x25: {  	[tilespmem:s21], [sflag:$0x3] =	stream.indirect.gather [hbm4b:s4+s17], $0x88, s0, s17, $0xb8;
	[tilespmem:$0x1F2E8] =	vst v63  }
0x26: {  	_ =	swait.ge [sflag:s22], $0x2A80  }
0x27: {  	[sflag:s22] =	ssyncset.done $0x0  }
0x28: {  	s25 =	simm.s32 $0x1DF38;
	[sflag:s22] =	ssyncadd.s32 $0xFFFFD580  }
0x29: {  	[spmem:s2] =	stream.indirect.scatter.add.f32 [tilespmem:s18], [sflag:$0x4], $0x88, s25, s17, $0xb8;
	[tilespmem:$0x1F2E8] =	vst v63  }
0x2a: {  	_ =	swait.ge [sflag:s14], $0x2A80  }
0x2b: {  	[sflag:s14] =	ssyncset.done $0x0  }
0x2c: {  	s29 =	simm.s32 $0x1CC78;
	[sflag:s14] =	ssyncadd.s32 $0xFFFFD580  }
0x2d: {  	[tilespmem:s18], [sflag:$0x1] =	stream.indirect.gather [hbm4b:s4+s17], $0x88, s29, s17, $0xb8;
	[tilespmem:$0x1F2E8] =	vst v63  }
0x2e: {  	_ =	swait.ge [sflag:s23], $0x2A80  }
0x2f: {  	[sflag:s23] =	ssyncset.done $0x0  }
0x30: {  	s1 =	simm.s32 $0x1DF88;
	[sflag:s23] =	ssyncadd.s32 $0xFFFFD580  }
0x31: {  	[spmem:s2] =	stream.indirect.scatter.add.f32 [tilespmem:s20], [sflag:$0x4], $0x88, s1, s17, $0xb8;
	[tilespmem:$0x1F2E8] =	vst v63  }
0x32: {  	_ =	swait.ge [sflag:s14], $0x2A80  }
0x33: {  	[sflag:s14] =	ssyncset.done $0x0  }
0x34: {  	s25 =	simm.s32 $0x1CCC8;
	[sflag:s14] =	ssyncadd.s32 $0xFFFFD580  }
0x35: {  	[tilespmem:s20], [sflag:$0x2] =	stream.indirect.gather [hbm4b:s4+s17], $0x88, s25, s17, $0xb8;
	[tilespmem:$0x1F2E8] =	vst v63  }
0x36: {  	_ =	swait.ge [sflag:s24], $0x2A80  }
0x37: {  	[sflag:s24] =	ssyncset.done $0x0  }
0x38: {  	s29 =	simm.s32 $0x1DFD8;
	[sflag:s24] =	ssyncadd.s32 $0xFFFFD580  }
0x39: {  	[spmem:s2] =	stream.indirect.scatter.add.f32 [tilespmem:s21], [sflag:$0x4], $0x88, s29, s17, $0xb8;
	[tilespmem:$0x1F2E8] =	vst v63  }
0x3a: {  	_ =	swait.ge [sflag:s14], $0x2A80  }
0x3b: {  	s31 =	simm.s32 $0xF0;
	s0 =	simm.s32 $0x780;
	[sflag:s14] =	ssyncset.done $0x0  }
.LBB2_2:
0x3c: {  	s1 =	sadd.s32 $0x1CC28, s31  }
0x3d: {  	[sflag:s14] =	ssyncadd.s32 $0xFFFFD580;
	s25 =	smov.u32 s0;
	s29 =	sadd.s32 $0x3C0, s0  }
0x3e: {  	[tilespmem:s21], [sflag:$0x3] =	stream.indirect.gather [hbm4b:s4+s17], $0x88, s1, s17, $0xb8;
	[tilespmem:$0x1F2E8] =	vst v63  }
0x3f: {  	p0 =	sne.s32 s0, $0x4740;
	_ =	swait.ge [sflag:s22], $0x2A80  }
0x40: {  	[sflag:s22] =	ssyncset.done $0x0  }
0x41: {  	s0 =	sadd.s32 $0x1DF38, s31;
	[sflag:s22] =	ssyncadd.s32 $0xFFFFD580  }
0x42: {  	[spmem:s2] =	stream.indirect.scatter.add.f32 [tilespmem:s18], [sflag:$0x4], $0x88, s0, s17, $0xb8;
	[tilespmem:$0x1F2E8] =	vst v63  }
0x43: {  	_ =	swait.ge [sflag:s14], $0x2A80  }
0x44: {  	[sflag:s14] =	ssyncset.done $0x0  }
0x45: {  	s0 =	sadd.s32 $0x1CC78, s31;
	[sflag:s14] =	ssyncadd.s32 $0xFFFFD580  }
0x46: {  	[tilespmem:s18], [sflag:$0x1] =	stream.indirect.gather [hbm4b:s4+s17], $0x88, s0, s17, $0xb8;
	[tilespmem:$0x1F2E8] =	vst v63  }
0x47: {  	_ =	swait.ge [sflag:s23], $0x2A80  }
0x48: {  	[sflag:s23] =	ssyncset.done $0x0  }
0x49: {  	s0 =	sadd.s32 $0x1DF88, s31;
	[sflag:s23] =	ssyncadd.s32 $0xFFFFD580  }
0x4a: {  	[spmem:s2] =	stream.indirect.scatter.add.f32 [tilespmem:s20], [sflag:$0x4], $0x88, s0, s17, $0xb8;
	[tilespmem:$0x1F2E8] =	vst v63  }
0x4b: {  	_ =	swait.ge [sflag:s14], $0x2A80  }
0x4c: {  	[sflag:s14] =	ssyncset.done $0x0  }
0x4d: {  	s0 =	sadd.s32 $0x1CCC8, s31;
	[sflag:s14] =	ssyncadd.s32 $0xFFFFD580  }
0x4e: {  	[tilespmem:s20], [sflag:$0x2] =	stream.indirect.gather [hbm4b:s4+s17], $0x88, s0, s17, $0xb8;
	[tilespmem:$0x1F2E8] =	vst v63  }
0x4f: {  	_ =	swait.ge [sflag:s24], $0x2A80  }
.Ltmp0:
0x50: {  	[sflag:s24] =	ssyncset.done $0x0;
	(pc) =	sbr.rel @p0 .LBB2_2-.Ltmp0, $4  }
0x51: {  	s0 =	sadd.s32 $0x1DFD8, s31;
	[sflag:s24] =	ssyncadd.s32 $0xFFFFD580  }
0x52: {  	[spmem:s2] =	stream.indirect.scatter.add.f32 [tilespmem:s21], [sflag:$0x4], $0x88, s0, s17, $0xb8;
	[tilespmem:$0x1F2E8] =	vst v63  }
0x53: {  	_ =	swait.ge [sflag:s14], $0x2A80  }
0x54: {  	s31 =	sshra.s32 s25, $0x2;
	s0 =	smov.u32 s29;
	[sflag:s14] =	ssyncset.done $0x0  }
0x55: {  	s0 =	sadd.s32 $0x1CC28, s31;
	[sflag:s14] =	ssyncadd.s32 $0xFFFFD580  }
0x56: {  	[tilespmem:s21], [sflag:$0x3] =	stream.indirect.gather [hbm4b:s4+s17], $0x88, s0, s17, $0xb8;
	[tilespmem:$0x1F2E8] =	vst v63  }
0x57: {  	_ =	swait.ge [sflag:s22], $0x2A80  }
0x58: {  	[sflag:s22] =	ssyncset.done $0x0  }
0x59: {  	s25 =	sadd.s32 $0x1DF38, s31;
	[sflag:s22] =	ssyncadd.s32 $0xFFFFD580  }
0x5a: {  	[spmem:s2] =	stream.indirect.scatter.add.f32 [tilespmem:s18], [sflag:$0x4], $0x88, s25, s17, $0xb8;
	[tilespmem:$0x1F2E8] =	vst v63  }
0x5b: {  	_ =	swait.ge [sflag:s14], $0x2A80  }
0x5c: {  	[sflag:s14] =	ssyncset.done $0x0  }
0x5d: {  	s29 =	sadd.s32 $0x1CC78, s31;
	[sflag:s14] =	ssyncadd.s32 $0xFFFFD580  }
0x5e: {  	[tilespmem:s18], [sflag:$0x1] =	stream.indirect.gather [hbm4b:s4+s17], $0x88, s29, s17, $0xb8;
	[tilespmem:$0x1F2E8] =	vst v63  }
0x5f: {  	_ =	swait.ge [sflag:s23], $0x2A80  }
0x60: {  	[sflag:s23] =	ssyncset.done $0x0  }
0x61: {  	s1 =	sadd.s32 $0x1DF88, s31;
	[sflag:s23] =	ssyncadd.s32 $0xFFFFD580  }
0x62: {  	[spmem:s2] =	stream.indirect.scatter.add.f32 [tilespmem:s20], [sflag:$0x4], $0x88, s1, s17, $0xb8;
	[tilespmem:$0x1F2E8] =	vst v63  }
0x63: {  	_ =	swait.ge [sflag:s14], $0x2A80  }
0x64: {  	[sflag:s14] =	ssyncset.done $0x0  }
0x65: {  	s25 =	sadd.s32 $0x1CCC8, s31;
	[sflag:s14] =	ssyncadd.s32 $0xFFFFD580  }
0x66: {  	[tilespmem:s20], [sflag:$0x2] =	stream.indirect.gather [hbm4b:s4+s17], $0x88, s25, s17, $0xb8;
	[tilespmem:$0x1F2E8] =	vst v63  }
0x67: {  	_ =	swait.ge [sflag:s24], $0x2A80  }
0x68: {  	[sflag:s24] =	ssyncset.done $0x0  }
0x69: {  	s29 =	sadd.s32 $0x1DFD8, s31;
	[sflag:s24] =	ssyncadd.s32 $0xFFFFD580  }
0x6a: {  	[spmem:s2] =	stream.indirect.scatter.add.f32 [tilespmem:s21], [sflag:$0x4], $0x88, s29, s17, $0xb8;
	[tilespmem:$0x1F2E8] =	vst v63  }
0x6b: {  	_ =	swait.ge [sflag:s14], $0x2A80  }
0x6c: {  	[sflag:s14] =	ssyncset.done $0x0  }
0x6d: {  	s1 =	simm.s32 $0x1DEE8;
	[sflag:s14] =	ssyncadd.s32 $0xFFFFD580  }
0x6e: {  	[tilespmem:s21], [sflag:$0x3] =	stream.indirect.gather [hbm4b:s4+s17], $0x88, s1, s17, $0xb8;
	[tilespmem:$0x1F2E8] =	vst v63  }
0x6f: {  	_ =	swait.ge [sflag:s22], $0x2A80  }
0x70: {  	[sflag:s22] =	ssyncset.done $0x0  }
0x71: {  	[sflag:s22] =	ssyncadd.s32 $0xFFFFD580  }
0x72: {  	[spmem:s2] =	stream.indirect.scatter.add.f32 [tilespmem:s18], [sflag:$0x4], $0x88, s26, s17, $0xb8;
	[tilespmem:$0x1F2E8] =	vst v63  }
0x73: {  	_ =	swait.ge [sflag:s14], $0x2A80  }
0x74: {  	[sflag:s14] =	ssyncset.done $0x0  }
0x75: {  	[sflag:s14] =	ssyncadd.s32 $0xFFFFD580  }
0x76: {  	_ =	swait.ge [sflag:s23], $0x2A80  }
0x77: {  	[sflag:s23] =	ssyncset.done $0x0  }
0x78: {  	[sflag:s23] =	ssyncadd.s32 $0xFFFFD580  }
0x79: {  	[spmem:s2] =	stream.indirect.scatter.add.f32 [tilespmem:s20], [sflag:$0x4], $0x88, s28, s17, $0xb8;
	[tilespmem:$0x1F2E8] =	vst v63  }
0x7a: {  	_ =	swait.ge [sflag:s14], $0x2A80  }
0x7b: {  	[sflag:s14] =	ssyncset.done $0x0  }
0x7c: {  	[sflag:s14] =	ssyncadd.s32 $0xFFFFD580  }
0x7d: {  	_ =	swait.ge [sflag:s24], $0x2A80  }
0x7e: {  	[sflag:s24] =	ssyncset.done $0x0  }
0x7f: {  	s25 =	simm.s32 $0x1F298;
	[sflag:s24] =	ssyncadd.s32 $0xFFFFD580  }
0x80: {  	[spmem:s2] =	stream.indirect.scatter.add.f32 [tilespmem:s21], [sflag:$0x4], $0x88, s25, s17, $0xb8;
	[tilespmem:$0x1F2E8] =	vst v63  }
0x81: {  	_ =	swait.ge [sflag:s14], $0x2A80  }
0x82: {  	[sflag:s14] =	ssyncset.done $0x0  }
0x83: {  	s29 =	simm.s32 $0x0;
	[sflag:s14] =	ssyncadd.s32 $0xFFFFD580  }
0x84: {  	[tilespmem:s15], [sflag:$0x4] =	stream.linear.gather [hbm4b:s9+s29], $0x1360, $0x38;
	[tilespmem:$0x1F2E8] =	vst v63  }
0x85: {  	_ =	swait.ge [sflag:s14], $0x1360  }
0x86: {  	[sflag:s14] =	ssyncset.done $0x0  }
0x87: {  	[sflag:s14] =	ssyncadd.s32 $0xFFFFECA0  }
0x88: {  	[tilespmem:s16], [sflag:$0x4] =	stream.linear.gather [hbm4b:s10+s29], $0x1360, $0x38;
	[tilespmem:$0x1F2E8] =	vst v63  }
0x89: {  	_ =	swait.ge [sflag:s14], $0x1360  }
0x8a: {  	[sflag:s14] =	ssyncset.done $0x0  }
0x8b: {  	[sflag:s14] =	ssyncadd.s32 $0xFFFFECA0  }
0x8c: {  	[tilespmem:s18], [sflag:$0x1] =	stream.indirect.gather [hbm4b:s4+s17], $0x88, s15, s17, $0xb8;
	[tilespmem:$0x1F2E8] =	vst v63  }
0x8d: {  	_ = 	snop  }
0x8e: {  	[tilespmem:s20], [sflag:$0x2] =	stream.indirect.gather [hbm4b:s4+s17], $0x88, s19, s17, $0xb8;
	[tilespmem:$0x1F2E8] =	vst v63  }
0x8f: {  	s1 =	simm.s32 $0x1CC28  }
0x90: {  	[tilespmem:s21], [sflag:$0x3] =	stream.indirect.gather [hbm4b:s4+s17], $0x88, s1, s17, $0xb8;
	[tilespmem:$0x1F2E8] =	vst v63  }
0x91: {  	_ =	swait.ge [sflag:s22], $0x2A80  }
0x92: {  	[sflag:s22] =	ssyncset.done $0x0  }
0x93: {  	s25 =	simm.s32 $0x1DF38;
	[sflag:s22] =	ssyncadd.s32 $0xFFFFD580  }
0x94: {  	[spmem:s2] =	stream.indirect.scatter.add.f32 [tilespmem:s18], [sflag:$0x4], $0x88, s25, s17, $0xb8;
	[tilespmem:$0x1F2E8] =	vst v63  }
0x95: {  	_ =	swait.ge [sflag:s14], $0x2A80  }
0x96: {  	[sflag:s14] =	ssyncset.done $0x0  }
0x97: {  	s29 =	simm.s32 $0x1CC78;
	[sflag:s14] =	ssyncadd.s32 $0xFFFFD580  }
0x98: {  	[tilespmem:s18], [sflag:$0x1] =	stream.indirect.gather [hbm4b:s4+s17], $0x88, s29, s17, $0xb8;
	[tilespmem:$0x1F2E8] =	vst v63  }
0x99: {  	_ =	swait.ge [sflag:s23], $0x2A80  }
0x9a: {  	[sflag:s23] =	ssyncset.done $0x0  }
0x9b: {  	s1 =	simm.s32 $0x1DF88;
	[sflag:s23] =	ssyncadd.s32 $0xFFFFD580  }
0x9c: {  	[spmem:s2] =	stream.indirect.scatter.add.f32 [tilespmem:s20], [sflag:$0x4], $0x88, s1, s17, $0xb8;
	[tilespmem:$0x1F2E8] =	vst v63  }
0x9d: {  	_ =	swait.ge [sflag:s14], $0x2A80  }
0x9e: {  	[sflag:s14] =	ssyncset.done $0x0  }
0x9f: {  	s25 =	simm.s32 $0x1CCC8;
	[sflag:s14] =	ssyncadd.s32 $0xFFFFD580  }
0xa0: {  	[tilespmem:s20], [sflag:$0x2] =	stream.indirect.gather [hbm4b:s4+s17], $0x88, s25, s17, $0xb8;
	[tilespmem:$0x1F2E8] =	vst v63  }
0xa1: {  	_ =	swait.ge [sflag:s24], $0x2A80  }
0xa2: {  	[sflag:s24] =	ssyncset.done $0x0  }
0xa3: {  	s29 =	simm.s32 $0x1DFD8;
	[sflag:s24] =	ssyncadd.s32 $0xFFFFD580  }
0xa4: {  	[spmem:s2] =	stream.indirect.scatter.add.f32 [tilespmem:s21], [sflag:$0x4], $0x88, s29, s17, $0xb8;
	[tilespmem:$0x1F2E8] =	vst v63  }
0xa5: {  	_ =	swait.ge [sflag:s14], $0x2A80  }
0xa6: {  	s0 =	simm.s32 $0x780;
	s31 =	simm.s32 $0xF0;
	[sflag:s14] =	ssyncset.done $0x0  }
.LBB2_4:
0xa7: {  	s1 =	sadd.s32 $0x1CC28, s31  }
0xa8: {  	[sflag:s14] =	ssyncadd.s32 $0xFFFFD580;
	s25 =	smov.u32 s0;
	s29 =	sadd.s32 $0x3C0, s0  }
0xa9: {  	[tilespmem:s21], [sflag:$0x3] =	stream.indirect.gather [hbm4b:s4+s17], $0x88, s1, s17, $0xb8;
	[tilespmem:$0x1F2E8] =	vst v63  }
0xaa: {  	p0 =	sne.s32 s0, $0x4740;
	_ =	swait.ge [sflag:s22], $0x2A80  }
0xab: {  	[sflag:s22] =	ssyncset.done $0x0  }
0xac: {  	s0 =	sadd.s32 $0x1DF38, s31;
	[sflag:s22] =	ssyncadd.s32 $0xFFFFD580  }
0xad: {  	[spmem:s2] =	stream.indirect.scatter.add.f32 [tilespmem:s18], [sflag:$0x4], $0x88, s0, s17, $0xb8;
	[tilespmem:$0x1F2E8] =	vst v63  }
0xae: {  	_ =	swait.ge [sflag:s14], $0x2A80  }
0xaf: {  	[sflag:s14] =	ssyncset.done $0x0  }
0xb0: {  	s0 =	sadd.s32 $0x1CC78, s31;
	[sflag:s14] =	ssyncadd.s32 $0xFFFFD580  }
0xb1: {  	[tilespmem:s18], [sflag:$0x1] =	stream.indirect.gather [hbm4b:s4+s17], $0x88, s0, s17, $0xb8;
	[tilespmem:$0x1F2E8] =	vst v63  }
0xb2: {  	_ =	swait.ge [sflag:s23], $0x2A80  }
0xb3: {  	[sflag:s23] =	ssyncset.done $0x0  }
0xb4: {  	s0 =	sadd.s32 $0x1DF88, s31;
	[sflag:s23] =	ssyncadd.s32 $0xFFFFD580  }
0xb5: {  	[spmem:s2] =	stream.indirect.scatter.add.f32 [tilespmem:s20], [sflag:$0x4], $0x88, s0, s17, $0xb8;
	[tilespmem:$0x1F2E8] =	vst v63  }
0xb6: {  	_ =	swait.ge [sflag:s14], $0x2A80  }
0xb7: {  	[sflag:s14] =	ssyncset.done $0x0  }
0xb8: {  	s0 =	sadd.s32 $0x1CCC8, s31;
	[sflag:s14] =	ssyncadd.s32 $0xFFFFD580  }
0xb9: {  	[tilespmem:s20], [sflag:$0x2] =	stream.indirect.gather [hbm4b:s4+s17], $0x88, s0, s17, $0xb8;
	[tilespmem:$0x1F2E8] =	vst v63  }
0xba: {  	_ =	swait.ge [sflag:s24], $0x2A80  }
.Ltmp1:
0xbb: {  	[sflag:s24] =	ssyncset.done $0x0;
	(pc) =	sbr.rel @p0 .LBB2_4-.Ltmp1, $4  }
0xbc: {  	s0 =	sadd.s32 $0x1DFD8, s31;
	[sflag:s24] =	ssyncadd.s32 $0xFFFFD580  }
0xbd: {  	[spmem:s2] =	stream.indirect.scatter.add.f32 [tilespmem:s21], [sflag:$0x4], $0x88, s0, s17, $0xb8;
	[tilespmem:$0x1F2E8] =	vst v63  }
0xbe: {  	_ =	swait.ge [sflag:s14], $0x2A80  }
0xbf: {  	s31 =	sshra.s32 s25, $0x2;
	s0 =	smov.u32 s29;
	[sflag:s14] =	ssyncset.done $0x0  }
0xc0: {  	s0 =	sadd.s32 $0x1CC28, s31;
	[sflag:s14] =	ssyncadd.s32 $0xFFFFD580  }
0xc1: {  	[tilespmem:s21], [sflag:$0x3] =	stream.indirect.gather [hbm4b:s4+s17], $0x88, s0, s17, $0xb8;
	[tilespmem:$0x1F2E8] =	vst v63  }
0xc2: {  	_ =	swait.ge [sflag:s22], $0x2A80  }
0xc3: {  	[sflag:s22] =	ssyncset.done $0x0  }
0xc4: {  	s29 =	sadd.s32 $0x1DF38, s31;
	[sflag:s22] =	ssyncadd.s32 $0xFFFFD580  }
0xc5: {  	[spmem:s2] =	stream.indirect.scatter.add.f32 [tilespmem:s18], [sflag:$0x4], $0x88, s29, s17, $0xb8;
	[tilespmem:$0x1F2E8] =	vst v63  }
0xc6: {  	_ =	swait.ge [sflag:s14], $0x2A80  }
0xc7: {  	[sflag:s14] =	ssyncset.done $0x0  }
0xc8: {  	s1 =	sadd.s32 $0x1CC78, s31;
	[sflag:s14] =	ssyncadd.s32 $0xFFFFD580  }
0xc9: {  	[tilespmem:s18], [sflag:$0x1] =	stream.indirect.gather [hbm4b:s4+s17], $0x88, s1, s17, $0xb8;
	[tilespmem:$0x1F2E8] =	vst v63  }
0xca: {  	_ =	swait.ge [sflag:s23], $0x2A80  }
0xcb: {  	[sflag:s23] =	ssyncset.done $0x0  }
0xcc: {  	s25 =	sadd.s32 $0x1DF88, s31;
	[sflag:s23] =	ssyncadd.s32 $0xFFFFD580  }
0xcd: {  	[spmem:s2] =	stream.indirect.scatter.add.f32 [tilespmem:s20], [sflag:$0x4], $0x88, s25, s17, $0xb8;
	[tilespmem:$0x1F2E8] =	vst v63  }
0xce: {  	_ =	swait.ge [sflag:s14], $0x2A80  }
0xcf: {  	[sflag:s14] =	ssyncset.done $0x0  }
0xd0: {  	s29 =	sadd.s32 $0x1CCC8, s31;
	[sflag:s14] =	ssyncadd.s32 $0xFFFFD580  }
0xd1: {  	[tilespmem:s20], [sflag:$0x2] =	stream.indirect.gather [hbm4b:s4+s17], $0x88, s29, s17, $0xb8;
	[tilespmem:$0x1F2E8] =	vst v63  }
0xd2: {  	_ =	swait.ge [sflag:s24], $0x2A80  }
0xd3: {  	[sflag:s24] =	ssyncset.done $0x0  }
0xd4: {  	s31 =	sadd.s32 $0x1DFD8, s31;
	[sflag:s24] =	ssyncadd.s32 $0xFFFFD580  }
0xd5: {  	[spmem:s2] =	stream.indirect.scatter.add.f32 [tilespmem:s21], [sflag:$0x4], $0x88, s31, s17, $0xb8;
	[tilespmem:$0x1F2E8] =	vst v63  }
0xd6: {  	_ =	swait.ge [sflag:s14], $0x2A80  }
0xd7: {  	[sflag:s14] =	ssyncset.done $0x0  }
0xd8: {  	[sflag:s14] =	ssyncadd.s32 $0xFFFFD580  }
0xd9: {  	_ =	swait.ge [sflag:s22], $0x2A80  }
0xda: {  	[sflag:s22] =	ssyncset.done $0x0  }
0xdb: {  	[sflag:s22] =	ssyncadd.s32 $0xFFFFD580  }
0xdc: {  	[spmem:s2] =	stream.indirect.scatter.add.f32 [tilespmem:s18], [sflag:$0x4], $0x88, s26, s17, $0xb8;
	[tilespmem:$0x1F2E8] =	vst v63  }
0xdd: {  	_ =	swait.ge [sflag:s14], $0x2A80  }
0xde: {  	[sflag:s14] =	ssyncset.done $0x0  }
0xdf: {  	[sflag:s14] =	ssyncadd.s32 $0xFFFFD580  }
0xe0: {  	_ =	swait.ge [sflag:s23], $0x2A80  }
0xe1: {  	[sflag:s23] =	ssyncset.done $0x0  }
0xe2: {  	[sflag:s23] =	ssyncadd.s32 $0xFFFFD580  }
0xe3: {  	[spmem:s2] =	stream.indirect.scatter.add.f32 [tilespmem:s20], [sflag:$0x4], $0x88, s28, s17, $0xb8;
	[tilespmem:$0x1F2E8] =	vst v63  }
0xe4: {  	_ =	swait.ge [sflag:s14], $0x2A80  }
0xe5: {  	s30 =	sadd.s32 $0x1, s30;
	[sflag:s14] =	ssyncset.done $0x0  }
0xe6: {  	p0 =	sne.s32 s30, s12;
	[sflag:s14] =	ssyncadd.s32 $0xFFFFD580  }
.Ltmp2:
0xe7: {  	[bflag:$0x0] =	sbarrier.arrive $0xFFFF;
	(pc) =	sbr.rel @p0 .LBB2_1-.Ltmp2, $4  }
0xe8: {  	[hbm:s11], [sflag:s6] =	dma.local [spmem:s13], $0x2981  }
0xe9: {  	_ =	swait.ge [sflag:s14], $0x2981  }
0xea: {  	[sflag:s14] =	ssyncset.done $0x0  }
0xeb: {  	[sflag:s14] =	ssyncadd.s32 $0xFFFFD67F  }
0xec: {  	_ =	sfence.sel $0x180000  }
0xed: {  	[bflag:$0x0] =	sbarrier.arrive $0xFFFF  }
0xee: {  	_ =	strace $0x90000047  }
0xef: {  	s0 =	stileid.u32;
	[bflag:$0x2] =	sbarrier.arrive $0xFFFF  }
0xf0: {  	p0 =	sne.s32 s0, $0x0;
	s0 =	rddreg [dreg:$0x3]  }
0xf1: {  	s0 =	sadd.s32 @!p0 $0x100000, s0  }
0xf2: {  	[sflag:s0] =	ssyncadd.tile.s32 @!p0 $0x1;
	_ =	shalt  }
.Lfunc_end2:
_tile_overlayer_lowered:
.L_overlay_start_2:
0xf3: {  	(tag) =	ssettag $0x2  }
0xf4: {  	s0 =	rddreg [dreg:$0x0];
	s2 =	stileid.u32  }
0xf5: {  	s1 =	rddreg [dreg:$0x1];
	p0 =	sne.s32 s2, $0x0  }
0xf6: {  	s3 =	rddreg [dreg:$0x2];
	[bflag:$0x3] =	sbarrier.arrive $0xFFFF;
	s2 =	simm.s32 @!p0 $0x1C04  }
0xf7: {  	[timem:s3], [sflag:s2] =	dma.local @!p0 [hbm:s0], s1  }
0xf8: {  	s0 =	simm.s32 @!p0 $0x4  }
0xf9: {  	_ =	swait.ge @!p0 [sflag:s0], s1  }
0xfa: {  	s1 =	ssub.s32 @!p0 $0x0, s1;
	[sflag:s0] =	ssyncset.done @!p0 $0x0  }
0xfb: {  	[sflag:s0] =	ssyncadd.s32 @!p0 s1  }
0xfc: {  	[bflag:$0x3] =	sbarrier.arrive $0xFFFF  }
0xfd: {  	_ =	shalt  }

// kernel: kernel.9.cloned.1.call-start
scs
__scs_entry_jumppad:
0x0: {  	(pc) =	sbr.rel $0x88, $3  }
0x1: {  	(tag) =	ssettag $0x0;
	lr =	simm.s32 $0x1  }
0x2: {  	[smem:$0x3F9B] =	sst lr;
	_ =	strace $0xD0000000  }
0x3: {  	_ = 	snop  }
0x4: {  	_ = 	snop  }
0x5: {  	_ = 	snop  }
0x6: {  	_ = 	snop  }
0x7: {  	_ = 	snop  }
__scs_overlays_trampoline_lowered:
0x8: {  	[smem:$0x3FAA] =	sst s0  }
0x9: {  	[smem:$0x3FAB] =	sst s1  }
0xa: {  	[smem:$0x3FAC] =	sst s2  }
0xb: {  	[smem:$0x3FAD] =	sst s3  }
0xc: {  	[smem:$0x3FAE] =	sst s4  }
0xd: {  	[smem:$0x3FAF] =	sst s5  }
0xe: {  	[smem:$0x3FB0] =	sst s6  }
0xf: {  	[smem:$0x3FB1] =	sst s7  }
0x10: {  	[smem:$0x3FB2] =	sst s8  }
0x11: {  	[smem:$0x3FB3] =	sst s9;
	s0 =	simm.s32 @!p0 $0x0  }
0x12: {  	s1 =	sld [smem:$0x3F99];
	s0 =	simm.s32 @p0 $0x1  }
0x13: {  	[smem:$0x3FB4] =	sst s0;
	s0 =	simm.s32 @!p1 $0x0  }
0x14: {  	s2 =	sld [smem:$0x3F98];
	s0 =	simm.s32 @p1 $0x1  }
0x15: {  	[smem:$0x3FB5] =	sst s0;
	s0 =	simm.s32 @!p2 $0x0  }
0x16: {  	s3 =	sld [smem:$0x3FDB];
	s0 =	simm.s32 @p2 $0x1  }
0x17: {  	s4 =	simm.s32 $0x1BF5;
	[smem:$0x3FB7] =	sst s0  }
0x18: {  	s0 =	sld [smem:$0x3F9A];
	_ =	swait.ge [sflag:s4], $0x0  }
0x19: {  	s7 =	sld [smem:$0x3F9B]  }
0x1a: {  	s8 =	sadd.s32 $0xFFFFE003, lr  }
0x1b: {  	s9 =	sadd.s32 $0xFFFFFEF7, lr;
	s5 =	simm.s32 $0xFFFFFFFF;
	p2 =	slt.u32 s8, $0xFFFFF086  }
0x1c: {  	p1 =	slt.u32 s9, $0xF7A;
	s5 =	simm.s32 @!p2 $0x0  }
0x1d: {  	s5 =	simm.s32 @p1 $0x1;
	p0 =	seq.s32 s7, s2  }
0x1e: {  	s7 =	smul.u32 @!p0 $0xF7A, s2;
	p2 =	seq.s32 @!p0 s5, $0x0  }
0x1f: {  	s9 =	smul.u32 $0xF7A, s1;
	s8 =	simm.s32 @!p0 $0x1BF5;
	p2 =	por !p2, p0  }
0x20: {  	[sflag:s8] =	ssyncset.s32 @!p0 $0xFFFFF086;
	s6 =	sadd.s32 @!p0 s3, s7;
	s7 =	simm.s32 @!p0 $0x108  }
0x21: {  	s3 =	sadd.s32 s3, s9;
	s6 =	sadd.s32 @!p0 $0x88, s6;
	s7 =	simm.s32 @p2 $0x1082  }
0x22: {  	[simem:s7], [sflag:s8] =	dma.local @!p0 [hbm:s6], $0xF7A  }
0x23: {  	s9 =	sor.u32 $0xD0000000, s2;
	s6 =	simm.s32 $0x108;
	_ =	swait.ge @!p0 [sflag:s8], $0x0  }
0x24: {  	s3 =	sadd.s32 $0x88, s3;
	s6 =	simm.s32 @!p1 $0x1082;
	[sflag:s4] =	ssyncset.s32 $0xFFFFF086  }
0x25: {  	[simem:s6], [sflag:s4] =	dma.local [hbm:s3], $0xF7A  }
0x26: {  	[smem:$0x3F9B] =	sst s1;
	(tag) =	ssettag s2;
	_ =	strace s9  }
0x27: {  	s1 =	sld [smem:$0x3FAB]  }
0x28: {  	s2 =	sld [smem:$0x3FAC]  }
0x29: {  	s4 =	sld [smem:$0x3FAE]  }
0x2a: {  	p0 =	seq.s32 s5, $0x0;
	s5 =	sld [smem:$0x3FAF]  }
0x2b: {  	s6 =	sld [smem:$0x3FB0]  }
0x2c: {  	s7 =	sld [smem:$0x3FB1]  }
0x2d: {  	s3 =	simm.s32 $0x108;
	s8 =	sld [smem:$0x3FB2]  }
0x2e: {  	s3 =	simm.s32 @!p0 $0x1082;
	s9 =	sld [smem:$0x3FB3]  }
0x2f: {  	lr =	sadd.s32 s0, s3;
	s0 =	sld [smem:$0x3FAA]  }
0x30: {  	s3 =	sld [smem:$0x3FAD]  }
0x31: {  	[smem:$0x3FB6] =	sst s10  }
0x32: {  	s10 =	sld [smem:$0x3FB4];
	_ =	sdelay $0x3  }
0x33: {  	p0 =	seq.s32 s10, $0x1;
	s10 =	sld [smem:$0x3FB6];
	_ =	sdelay $0x3  }
0x34: {  	[smem:$0x3FB6] =	sst s10  }
0x35: {  	s10 =	sld [smem:$0x3FB5];
	_ =	sdelay $0x3  }
0x36: {  	p1 =	seq.s32 s10, $0x1;
	s10 =	sld [smem:$0x3FB6];
	_ =	sdelay $0x3  }
0x37: {  	[smem:$0x3FB6] =	sst s10  }
0x38: {  	s10 =	sld [smem:$0x3FB7]  }
0x39: {  	_ = 	snop;
	(pc) =	sbr.ind lr, $3  }
0x3a: {  	_ = 	snop  }
0x3b: {  	_ = 	snop  }
0x3c: {  	p2 =	seq.s32 s10, $0x1;
	s10 =	sld [smem:$0x3FB6]  }
0x3d: {  	_ =	shalt  }
0x3e: {  	_ =	shalt  }
0x3f: {  	_ =	shalt  }
0x40: {  	_ =	shalt  }
0x41: {  	_ =	shalt  }
0x42: {  	_ =	shalt  }
0x43: {  	_ =	shalt  }
0x44: {  	_ =	shalt  }
0x45: {  	_ =	shalt  }
0x46: {  	_ =	shalt  }
0x47: {  	_ =	shalt  }
0x48: {  	_ =	shalt  }
0x49: {  	_ =	shalt  }
0x4a: {  	_ =	shalt  }
0x4b: {  	_ =	shalt  }
0x4c: {  	_ =	shalt  }
0x4d: {  	_ =	shalt  }
0x4e: {  	_ =	shalt  }
0x4f: {  	_ =	shalt  }
0x50: {  	_ =	shalt  }
0x51: {  	_ =	shalt  }
0x52: {  	_ =	shalt  }
0x53: {  	_ =	shalt  }
0x54: {  	_ =	shalt  }
0x55: {  	_ =	shalt  }
0x56: {  	_ =	shalt  }
0x57: {  	_ =	shalt  }
0x58: {  	_ =	shalt  }
0x59: {  	_ =	shalt  }
0x5a: {  	_ =	shalt  }
0x5b: {  	_ =	shalt  }
0x5c: {  	_ =	shalt  }
0x5d: {  	_ =	shalt  }
0x5e: {  	_ =	shalt  }
0x5f: {  	_ =	shalt  }
0x60: {  	_ =	shalt  }
0x61: {  	_ =	shalt  }
0x62: {  	_ =	shalt  }
0x63: {  	_ =	shalt  }
0x64: {  	_ =	shalt  }
0x65: {  	_ =	shalt  }
0x66: {  	_ =	shalt  }
0x67: {  	_ =	shalt  }
0x68: {  	_ =	shalt  }
0x69: {  	_ =	shalt  }
0x6a: {  	_ =	shalt  }
0x6b: {  	_ =	shalt  }
0x6c: {  	_ =	shalt  }
0x6d: {  	_ =	shalt  }
0x6e: {  	_ =	shalt  }
0x6f: {  	_ =	shalt  }
0x70: {  	_ =	shalt  }
0x71: {  	_ =	shalt  }
0x72: {  	_ =	shalt  }
0x73: {  	_ =	shalt  }
0x74: {  	_ =	shalt  }
0x75: {  	_ =	shalt  }
0x76: {  	_ =	shalt  }
0x77: {  	_ =	shalt  }
0x78: {  	_ =	shalt  }
0x79: {  	_ =	shalt  }
0x7a: {  	_ =	shalt  }
0x7b: {  	_ =	shalt  }
0x7c: {  	_ =	shalt  }
0x7d: {  	_ =	shalt  }
0x7e: {  	_ =	shalt  }
0x7f: {  	_ =	shalt  }
0x80: {  	_ =	shalt  }
0x81: {  	_ =	shalt  }
0x82: {  	_ =	shalt  }
0x83: {  	_ =	shalt  }
0x84: {  	_ =	shalt  }
0x85: {  	_ =	shalt  }
0x86: {  	_ =	shalt  }
0x87: {  	_ =	shalt  }
.Lfunc_end0:
.L_simem_size_0:
called_computation.1_lowered:
.L_overlay_start_0:
0x88: {  	s2 =	sld [smem:$0x3FD9]  }
0x89: {  	s3 =	sld [smem:$0x3FFE];
	_ =	sdelay $0x1  }
0x8a: {  	s1 =	srdreg.scid  }
0x8b: {  	s0 =	sand.u32 $0x1, s1  }
0x8c: {  	s17 =	sshll.u32 s0, $0xA;
	s2 =	sadd.s32 s3, s2  }
0x8d: {  	s2 =	sadd.s32 s2, s17  }
0x8e: {  	[smem:$0x3FC2] =	sst s2  }
0x8f: {  	_ = 	snop  }
0x90: {  	s2 =	sld [smem:$0x3FD0];
	(tm) =	ssettm $0x1  }
0x91: {  	s18 =	sld [smem:$0x3FFB];
	_ =	sdelay $0x3  }
0x92: {  	_ =	strace s18  }
0x93: {  	s3 =	sld [smem:$0x3FFC];
	_ =	sdelay $0x3  }
0x94: {  	_ =	strace s3  }
0x95: {  	s3 =	sld [smem:$0x3FFD];
	_ =	sdelay $0x3  }
0x96: {  	_ =	strace s3  }
0x97: {  	_ =	strace $0x8FFFFFFF  }
0x98: {  	s19 =	sld [smem:$0x3FDB];
	_ =	sdelay $0x1  }
0x99: {  	s4 =	simm.s32 $_scs_section_size  }
0x9a: {  	s5 =	simm.s32 $_size__tile_overlayer_lowered;
	s6 =	simm.s32 $_tile_overlayer_lowered  }
0x9b: {  	s22 =	simm.s32 $0x1BFF;
	s21 =	sshll.u32 s6, $0x1;
	s3 =	sadd.s32 s4, s19  }
0x9c: {  	s7 =	simm.s32 $0x0;
	s20 =	sshll.u32 s5, $0x1;
	s5 =	sadd.s32 s21, s3  }
0x9d: {  	[timem:s7], [sflag:s22] =	dma.local [hbm:s5], s20  }
0x9e: {  	_ =	swait.ge [sflag:s22], s20  }
0x9f: {  	s4 =	ssub.s32 $0x0, s20;
	[sflag:s22] =	ssyncset.done $0x0  }
0xa0: {  	[sflag:s22] =	ssyncadd.s32 s4;
	_ =	sdelay $0x1  }
0xa1: {  	s23 =	simm.s32 $0x1B8B  }
0xa2: {  	_ =	swait.ge [sflag:s23], $0x1  }
0xa3: {  	[sflag:s23] =	ssyncset.done $0x0  }
0xa4: {  	s25 =	simm.s32 $0x1B8E;
	s24 =	sld [smem:$0x3FFE];
	[sflag:s23] =	ssyncadd.s32 $0xFFFFFFFF  }
0xa5: {  	s26 =	simm.s32 $execute0_lowered;
	[smem:$0x3FD2] =	sst s25  }
0xa6: {  	s5 =	sshll.u32 s26, $0x1;
	_ =	strace $0x80000049;
	[dreg:$0x1] =	wrdreg $0xFFFFFFFF  }
0xa7: {  	s28 =	simm.s32 $_size_execute0_lowered;
	s3 =	sadd.s32 s3, s5;
	[dreg:$0x0] =	wrdreg $0x0  }
0xa8: {  	s5 =	sshll.u32 s28, $0x1;
	[dreg:$0x2] =	wrdreg s3  }
0xa9: {  	[dreg:$0x3] =	wrdreg s5  }
0xaa: {  	[dreg:$0x4] =	wrdreg $0xC0  }
0xab: {  	_ =	task [dreg:s7], $0x5FFFF  }
0xac: {  	[dreg:$0x1] =	wrdreg $0xFFFFFFFF  }
0xad: {  	[dreg:$0x0] =	wrdreg $0x60  }
0xae: {  	[dreg:$0x2] =	wrdreg s24  }
0xaf: {  	[dreg:$0x3] =	wrdreg s2  }
0xb0: {  	[dreg:$0x4] =	wrdreg $0x0  }
0xb1: {  	[dreg:$0x5] =	wrdreg $0x9  }
0xb2: {  	_ =	task.clear_ibuf [dreg:s7], $0x6FFFF;
	_ =	strace $0x90000049  }
0xb3: {  	s29 =	simm.s32 $0x9;
	_ =	strace $0x8000004B  }
0xb4: {  	_ =	swait.ge [sflag:s29], $0x1  }
0xb5: {  	[sflag:s29] =	ssyncadd.s32 $0xFFFFFFFF  }
0xb6: {  	_ =	strace $0x9000004B  }
0xb7: {  	_ =	sfence  }
0xb8: {  	s30 =	sld [smem:$0x0];
	_ =	sdelay $0x2  }
0xb9: {  	s31 =	sshll.u32 s1, $0xD;
	s1 =	sshrl.u32 s1, $0x2  }
0xba: {  	s3 =	sand.u32 $0x4000, s31;
	s1 =	sadd.s32 s1, s30  }
0xbb: {  	s0 =	sor.u32 s3, s0;
	s1 =	sshll.u32 s1, $0x11  }
0xbc: {  	s0 =	sor.u32 s1, s0  }
0xbd: {  	s0 =	sadd.s32 $0x8F2B, s0  }
0xbe: {  	[sflag:s0] =	ssyncadd.remote.s32 $0x1  }
0xbf: {  	_ =	sfence.sel $0xFFFF  }
0xc0: {  	[dreg:$0x0] =	wrdreg $0xFFFFFFFF;
	(pc) =	sbr.abs _section_cstart, $3  }
0xc1: {  	[dreg:$0x1] =	wrdreg $0xFFFFFFFF  }
0xc2: {  	_ =	task.clear_ibuf [dreg:s7], $0x2FFFF;
	_ =	strace $0x9FFFFFFF  }
0xc3: {  	(tm) =	ssettm $0x7FFFFFFF  }
tec
execute0_lowered:
.L_overlay_start_1:
0x0: {  	(tag) =	ssettag $0x1  }
0x1: {  	s0 =	rddreg [dreg:$0x0]  }
0x2: {  	s9 =	rddreg [dreg:$0x1]  }
0x3: {  	s2 =	rddreg [dreg:$0x2]  }
0x4: {  	s4 =	srdreg.scid;
	s1 =	stileid.u32  }
0x5: {  	s3 =	simm.s32 $0x0;
	s14 =	simm.s32 $0x4;
	s15 =	simm.s32 $0x1CB88  }
0x6: {  	s16 =	simm.s32 $0x1DF38;
	s17 =	simm.s32 $0x50;
	s18 =	simm.s32 $0x14C08  }
0x7: {  	s19 =	simm.s32 $0x1CBD8;
	s20 =	simm.s32 $0x17688;
	s21 =	simm.s32 $0x1A108  }
0x8: {  	s22 =	simm.s32 $0x1;
	s23 =	simm.s32 $0x2;
	s28 =	simm.s32 $0x1F248  }
0x9: {  	s30 =	simm.s32 $0x0;
	s6 =	sand.u32 $0x1, s4;
	s7 =	smul.u32 $0x2981, s1  }
0xa: {  	[smem:$0x7FF] =	sst s3;
	s4 =	sadd.s32 $0xA800, s0;
	s10 =	sadd.s32 $0xA00, s0  }
0xb: {  	s5 =	sadd.s32 $0x34200, s0;
	s11 =	smul.u32 $0x53020, s1;
	s29 =	sshll.u32 s1, $0x6  }
0xc: {  	s8 =	smul.u32 $0x29810, s6;
	s24 =	sshll.u32 s6, $0x4;
	s6 =	ssub.s32 $0x2, s6  }
0xd: {  	_ =	strace $0x8000004A;
	s25 =	sshrl.u32 s6, $0x1;
	s26 =	sshrl.u32 s11, $0x2  }
0xe: {  	s7 =	sadd.s32 s7, s8;
	s8 =	sor.u32 s1, s24;
	s12 =	ssub.s32 s6, s25  }
0xf: {  	s13 =	sadd.s32 s26, s2;
	s6 =	sor.u32 $0x1C04, s29;
	s8 =	smul.u32 $0x2710, s8  }
0x10: {  	s24 =	simm.s32 $0x3;
	s26 =	simm.s32 $0x1F1F8;
	s0 =	sadd.s32 s7, s0  }
0x11: {  	s12 =	smax.u32 s12, $0x1;
	s13 =	sshrl.u32 s13, $0x3;
	s31 =	sshrl.u32 s8, $0x3  }
0x12: {  	s7 =	sadd.s32 s9, s31;
	s8 =	sadd.s32 s10, s31;
	s11 =	sadd.s32 $0x276, s31  }
0x13: {  	s9 =	sadd.s32 s9, s11;
	s10 =	sadd.s32 s10, s11;
	s11 =	sadd.s32 $0x36C00, s0  }
.LBB2_1:
0x14: {  	[spmem:s13], [sflag:s6] =	dma.local [hbm:s5], $0x2981  }
0x15: {  	_ =	swait.ge [sflag:s14], $0x2981  }
0x16: {  	[sflag:s14] =	ssyncset.done $0x0  }
0x17: {  	[sflag:s14] =	ssyncadd.s32 $0xFFFFD67F  }
0x18: {  	[tilespmem:s15], [sflag:$0x4] =	stream.linear.gather [hbm4b:s7+s3], $0x13B0, $0x38;
	[tilespmem:$0x1F2E8] =	vst v63  }
0x19: {  	_ =	swait.ge [sflag:s14], $0x13B0  }
0x1a: {  	[sflag:s14] =	ssyncset.done $0x0  }
0x1b: {  	[sflag:s14] =	ssyncadd.s32 $0xFFFFEC50  }
0x1c: {  	[tilespmem:s16], [sflag:$0x4] =	stream.linear.gather [hbm4b:s8+s3], $0x13B0, $0x38;
	[tilespmem:$0x1F2E8] =	vst v63  }
0x1d: {  	_ =	swait.ge [sflag:s14], $0x13B0  }
0x1e: {  	[sflag:s14] =	ssyncset.done $0x0  }
0x1f: {  	[sflag:s14] =	ssyncadd.s32 $0xFFFFEC50  }
0x20: {  	[bflag:$0x0] =	sbarrier.arrive $0xFFFF  }
0x21: {  	[tilespmem:s18], [sflag:$0x1] =	stream.indirect.gather [hbm4b:s4+s17], $0x88, s15, s17, $0xb8;
	[tilespmem:$0x1F2E8] =	vst v63  }
0x22: {  	_ = 	snop  }
0x23: {  	[tilespmem:s20], [sflag:$0x2] =	stream.indirect.gather [hbm4b:s4+s17], $0x88, s19, s17, $0xb8;
	[tilespmem:$0x1F2E8] =	vst v63  }
0x24: {  	s0 =	simm.s32 $0x1CC28  }
0x25: {  	[tilespmem:s21], [sflag:$0x3] =	stream.indirect.gather [hbm4b:s4+s17], $0x88, s0, s17, $0xb8;
	[tilespmem:$0x1F2E8] =	vst v63  }
0x26: {  	_ =	swait.ge [sflag:s22], $0x2A80  }
0x27: {  	[sflag:s22] =	ssyncset.done $0x0  }
0x28: {  	s25 =	simm.s32 $0x1DF38;
	[sflag:s22] =	ssyncadd.s32 $0xFFFFD580  }
0x29: {  	[spmem:s2] =	stream.indirect.scatter.add.f32 [tilespmem:s18], [sflag:$0x4], $0x88, s25, s17, $0xb8;
	[tilespmem:$0x1F2E8] =	vst v63  }
0x2a: {  	_ =	swait.ge [sflag:s14], $0x2A80  }
0x2b: {  	[sflag:s14] =	ssyncset.done $0x0  }
0x2c: {  	s29 =	simm.s32 $0x1CC78;
	[sflag:s14] =	ssyncadd.s32 $0xFFFFD580  }
0x2d: {  	[tilespmem:s18], [sflag:$0x1] =	stream.indirect.gather [hbm4b:s4+s17], $0x88, s29, s17, $0xb8;
	[tilespmem:$0x1F2E8] =	vst v63  }
0x2e: {  	_ =	swait.ge [sflag:s23], $0x2A80  }
0x2f: {  	[sflag:s23] =	ssyncset.done $0x0  }
0x30: {  	s1 =	simm.s32 $0x1DF88;
	[sflag:s23] =	ssyncadd.s32 $0xFFFFD580  }
0x31: {  	[spmem:s2] =	stream.indirect.scatter.add.f32 [tilespmem:s20], [sflag:$0x4], $0x88, s1, s17, $0xb8;
	[tilespmem:$0x1F2E8] =	vst v63  }
0x32: {  	_ =	swait.ge [sflag:s14], $0x2A80  }
0x33: {  	[sflag:s14] =	ssyncset.done $0x0  }
0x34: {  	s25 =	simm.s32 $0x1CCC8;
	[sflag:s14] =	ssyncadd.s32 $0xFFFFD580  }
0x35: {  	[tilespmem:s20], [sflag:$0x2] =	stream.indirect.gather [hbm4b:s4+s17], $0x88, s25, s17, $0xb8;
	[tilespmem:$0x1F2E8] =	vst v63  }
0x36: {  	_ =	swait.ge [sflag:s24], $0x2A80  }
0x37: {  	[sflag:s24] =	ssyncset.done $0x0  }
0x38: {  	s29 =	simm.s32 $0x1DFD8;
	[sflag:s24] =	ssyncadd.s32 $0xFFFFD580  }
0x39: {  	[spmem:s2] =	stream.indirect.scatter.add.f32 [tilespmem:s21], [sflag:$0x4], $0x88, s29, s17, $0xb8;
	[tilespmem:$0x1F2E8] =	vst v63  }
0x3a: {  	_ =	swait.ge [sflag:s14], $0x2A80  }
0x3b: {  	s31 =	simm.s32 $0xF0;
	s0 =	simm.s32 $0x780;
	[sflag:s14] =	ssyncset.done $0x0  }
.LBB2_2:
0x3c: {  	s1 =	sadd.s32 $0x1CC28, s31  }
0x3d: {  	[sflag:s14] =	ssyncadd.s32 $0xFFFFD580;
	s25 =	smov.u32 s0;
	s29 =	sadd.s32 $0x3C0, s0  }
0x3e: {  	[tilespmem:s21], [sflag:$0x3] =	stream.indirect.gather [hbm4b:s4+s17], $0x88, s1, s17, $0xb8;
	[tilespmem:$0x1F2E8] =	vst v63  }
0x3f: {  	p0 =	sne.s32 s0, $0x4740;
	_ =	swait.ge [sflag:s22], $0x2A80  }
0x40: {  	[sflag:s22] =	ssyncset.done $0x0  }
0x41: {  	s0 =	sadd.s32 $0x1DF38, s31;
	[sflag:s22] =	ssyncadd.s32 $0xFFFFD580  }
0x42: {  	[spmem:s2] =	stream.indirect.scatter.add.f32 [tilespmem:s18], [sflag:$0x4], $0x88, s0, s17, $0xb8;
	[tilespmem:$0x1F2E8] =	vst v63  }
0x43: {  	_ =	swait.ge [sflag:s14], $0x2A80  }
0x44: {  	[sflag:s14] =	ssyncset.done $0x0  }
0x45: {  	s0 =	sadd.s32 $0x1CC78, s31;
	[sflag:s14] =	ssyncadd.s32 $0xFFFFD580  }
0x46: {  	[tilespmem:s18], [sflag:$0x1] =	stream.indirect.gather [hbm4b:s4+s17], $0x88, s0, s17, $0xb8;
	[tilespmem:$0x1F2E8] =	vst v63  }
0x47: {  	_ =	swait.ge [sflag:s23], $0x2A80  }
0x48: {  	[sflag:s23] =	ssyncset.done $0x0  }
0x49: {  	s0 =	sadd.s32 $0x1DF88, s31;
	[sflag:s23] =	ssyncadd.s32 $0xFFFFD580  }
0x4a: {  	[spmem:s2] =	stream.indirect.scatter.add.f32 [tilespmem:s20], [sflag:$0x4], $0x88, s0, s17, $0xb8;
	[tilespmem:$0x1F2E8] =	vst v63  }
0x4b: {  	_ =	swait.ge [sflag:s14], $0x2A80  }
0x4c: {  	[sflag:s14] =	ssyncset.done $0x0  }
0x4d: {  	s0 =	sadd.s32 $0x1CCC8, s31;
	[sflag:s14] =	ssyncadd.s32 $0xFFFFD580  }
0x4e: {  	[tilespmem:s20], [sflag:$0x2] =	stream.indirect.gather [hbm4b:s4+s17], $0x88, s0, s17, $0xb8;
	[tilespmem:$0x1F2E8] =	vst v63  }
0x4f: {  	_ =	swait.ge [sflag:s24], $0x2A80  }
.Ltmp0:
0x50: {  	[sflag:s24] =	ssyncset.done $0x0;
	(pc) =	sbr.rel @p0 .LBB2_2-.Ltmp0, $4  }
0x51: {  	s0 =	sadd.s32 $0x1DFD8, s31;
	[sflag:s24] =	ssyncadd.s32 $0xFFFFD580  }
0x52: {  	[spmem:s2] =	stream.indirect.scatter.add.f32 [tilespmem:s21], [sflag:$0x4], $0x88, s0, s17, $0xb8;
	[tilespmem:$0x1F2E8] =	vst v63  }
0x53: {  	_ =	swait.ge [sflag:s14], $0x2A80  }
0x54: {  	s31 =	sshra.s32 s25, $0x2;
	s0 =	smov.u32 s29;
	[sflag:s14] =	ssyncset.done $0x0  }
0x55: {  	s0 =	sadd.s32 $0x1CC28, s31;
	[sflag:s14] =	ssyncadd.s32 $0xFFFFD580  }
0x56: {  	[tilespmem:s21], [sflag:$0x3] =	stream.indirect.gather [hbm4b:s4+s17], $0x88, s0, s17, $0xb8;
	[tilespmem:$0x1F2E8] =	vst v63  }
0x57: {  	_ =	swait.ge [sflag:s22], $0x2A80  }
0x58: {  	[sflag:s22] =	ssyncset.done $0x0  }
0x59: {  	s25 =	sadd.s32 $0x1DF38, s31;
	[sflag:s22] =	ssyncadd.s32 $0xFFFFD580  }
0x5a: {  	[spmem:s2] =	stream.indirect.scatter.add.f32 [tilespmem:s18], [sflag:$0x4], $0x88, s25, s17, $0xb8;
	[tilespmem:$0x1F2E8] =	vst v63  }
0x5b: {  	_ =	swait.ge [sflag:s14], $0x2A80  }
0x5c: {  	[sflag:s14] =	ssyncset.done $0x0  }
0x5d: {  	s29 =	sadd.s32 $0x1CC78, s31;
	[sflag:s14] =	ssyncadd.s32 $0xFFFFD580  }
0x5e: {  	[tilespmem:s18], [sflag:$0x1] =	stream.indirect.gather [hbm4b:s4+s17], $0x88, s29, s17, $0xb8;
	[tilespmem:$0x1F2E8] =	vst v63  }
0x5f: {  	_ =	swait.ge [sflag:s23], $0x2A80  }
0x60: {  	[sflag:s23] =	ssyncset.done $0x0  }
0x61: {  	s1 =	sadd.s32 $0x1DF88, s31;
	[sflag:s23] =	ssyncadd.s32 $0xFFFFD580  }
0x62: {  	[spmem:s2] =	stream.indirect.scatter.add.f32 [tilespmem:s20], [sflag:$0x4], $0x88, s1, s17, $0xb8;
	[tilespmem:$0x1F2E8] =	vst v63  }
0x63: {  	_ =	swait.ge [sflag:s14], $0x2A80  }
0x64: {  	[sflag:s14] =	ssyncset.done $0x0  }
0x65: {  	s25 =	sadd.s32 $0x1CCC8, s31;
	[sflag:s14] =	ssyncadd.s32 $0xFFFFD580  }
0x66: {  	[tilespmem:s20], [sflag:$0x2] =	stream.indirect.gather [hbm4b:s4+s17], $0x88, s25, s17, $0xb8;
	[tilespmem:$0x1F2E8] =	vst v63  }
0x67: {  	_ =	swait.ge [sflag:s24], $0x2A80  }
0x68: {  	[sflag:s24] =	ssyncset.done $0x0  }
0x69: {  	s29 =	sadd.s32 $0x1DFD8, s31;
	[sflag:s24] =	ssyncadd.s32 $0xFFFFD580  }
0x6a: {  	[spmem:s2] =	stream.indirect.scatter.add.f32 [tilespmem:s21], [sflag:$0x4], $0x88, s29, s17, $0xb8;
	[tilespmem:$0x1F2E8] =	vst v63  }
0x6b: {  	_ =	swait.ge [sflag:s14], $0x2A80  }
0x6c: {  	[sflag:s14] =	ssyncset.done $0x0  }
0x6d: {  	s1 =	simm.s32 $0x1DEE8;
	[sflag:s14] =	ssyncadd.s32 $0xFFFFD580  }
0x6e: {  	[tilespmem:s21], [sflag:$0x3] =	stream.indirect.gather [hbm4b:s4+s17], $0x88, s1, s17, $0xb8;
	[tilespmem:$0x1F2E8] =	vst v63  }
0x6f: {  	_ =	swait.ge [sflag:s22], $0x2A80  }
0x70: {  	[sflag:s22] =	ssyncset.done $0x0  }
0x71: {  	[sflag:s22] =	ssyncadd.s32 $0xFFFFD580  }
0x72: {  	[spmem:s2] =	stream.indirect.scatter.add.f32 [tilespmem:s18], [sflag:$0x4], $0x88, s26, s17, $0xb8;
	[tilespmem:$0x1F2E8] =	vst v63  }
0x73: {  	_ =	swait.ge [sflag:s14], $0x2A80  }
0x74: {  	[sflag:s14] =	ssyncset.done $0x0  }
0x75: {  	[sflag:s14] =	ssyncadd.s32 $0xFFFFD580  }
0x76: {  	_ =	swait.ge [sflag:s23], $0x2A80  }
0x77: {  	[sflag:s23] =	ssyncset.done $0x0  }
0x78: {  	[sflag:s23] =	ssyncadd.s32 $0xFFFFD580  }
0x79: {  	[spmem:s2] =	stream.indirect.scatter.add.f32 [tilespmem:s20], [sflag:$0x4], $0x88, s28, s17, $0xb8;
	[tilespmem:$0x1F2E8] =	vst v63  }
0x7a: {  	_ =	swait.ge [sflag:s14], $0x2A80  }
0x7b: {  	[sflag:s14] =	ssyncset.done $0x0  }
0x7c: {  	[sflag:s14] =	ssyncadd.s32 $0xFFFFD580  }
0x7d: {  	_ =	swait.ge [sflag:s24], $0x2A80  }
0x7e: {  	[sflag:s24] =	ssyncset.done $0x0  }
0x7f: {  	s25 =	simm.s32 $0x1F298;
	[sflag:s24] =	ssyncadd.s32 $0xFFFFD580  }
0x80: {  	[spmem:s2] =	stream.indirect.scatter.add.f32 [tilespmem:s21], [sflag:$0x4], $0x88, s25, s17, $0xb8;
	[tilespmem:$0x1F2E8] =	vst v63  }
0x81: {  	_ =	swait.ge [sflag:s14], $0x2A80  }
0x82: {  	[sflag:s14] =	ssyncset.done $0x0  }
0x83: {  	s29 =	simm.s32 $0x0;
	[sflag:s14] =	ssyncadd.s32 $0xFFFFD580  }
0x84: {  	[tilespmem:s15], [sflag:$0x4] =	stream.linear.gather [hbm4b:s9+s29], $0x1360, $0x38;
	[tilespmem:$0x1F2E8] =	vst v63  }
0x85: {  	_ =	swait.ge [sflag:s14], $0x1360  }
0x86: {  	[sflag:s14] =	ssyncset.done $0x0  }
0x87: {  	[sflag:s14] =	ssyncadd.s32 $0xFFFFECA0  }
0x88: {  	[tilespmem:s16], [sflag:$0x4] =	stream.linear.gather [hbm4b:s10+s29], $0x1360, $0x38;
	[tilespmem:$0x1F2E8] =	vst v63  }
0x89: {  	_ =	swait.ge [sflag:s14], $0x1360  }
0x8a: {  	[sflag:s14] =	ssyncset.done $0x0  }
0x8b: {  	[sflag:s14] =	ssyncadd.s32 $0xFFFFECA0  }
0x8c: {  	[tilespmem:s18], [sflag:$0x1] =	stream.indirect.gather [hbm4b:s4+s17], $0x88, s15, s17, $0xb8;
	[tilespmem:$0x1F2E8] =	vst v63  }
0x8d: {  	_ = 	snop  }
0x8e: {  	[tilespmem:s20], [sflag:$0x2] =	stream.indirect.gather [hbm4b:s4+s17], $0x88, s19, s17, $0xb8;
	[tilespmem:$0x1F2E8] =	vst v63  }
0x8f: {  	s1 =	simm.s32 $0x1CC28  }
0x90: {  	[tilespmem:s21], [sflag:$0x3] =	stream.indirect.gather [hbm4b:s4+s17], $0x88, s1, s17, $0xb8;
	[tilespmem:$0x1F2E8] =	vst v63  }
0x91: {  	_ =	swait.ge [sflag:s22], $0x2A80  }
0x92: {  	[sflag:s22] =	ssyncset.done $0x0  }
0x93: {  	s25 =	simm.s32 $0x1DF38;
	[sflag:s22] =	ssyncadd.s32 $0xFFFFD580  }
0x94: {  	[spmem:s2] =	stream.indirect.scatter.add.f32 [tilespmem:s18], [sflag:$0x4], $0x88, s25, s17, $0xb8;
	[tilespmem:$0x1F2E8] =	vst v63  }
0x95: {  	_ =	swait.ge [sflag:s14], $0x2A80  }
0x96: {  	[sflag:s14] =	ssyncset.done $0x0  }
0x97: {  	s29 =	simm.s32 $0x1CC78;
	[sflag:s14] =	ssyncadd.s32 $0xFFFFD580  }
0x98: {  	[tilespmem:s18], [sflag:$0x1] =	stream.indirect.gather [hbm4b:s4+s17], $0x88, s29, s17, $0xb8;
	[tilespmem:$0x1F2E8] =	vst v63  }
0x99: {  	_ =	swait.ge [sflag:s23], $0x2A80  }
0x9a: {  	[sflag:s23] =	ssyncset.done $0x0  }
0x9b: {  	s1 =	simm.s32 $0x1DF88;
	[sflag:s23] =	ssyncadd.s32 $0xFFFFD580  }
0x9c: {  	[spmem:s2] =	stream.indirect.scatter.add.f32 [tilespmem:s20], [sflag:$0x4], $0x88, s1, s17, $0xb8;
	[tilespmem:$0x1F2E8] =	vst v63  }
0x9d: {  	_ =	swait.ge [sflag:s14], $0x2A80  }
0x9e: {  	[sflag:s14] =	ssyncset.done $0x0  }
0x9f: {  	s25 =	simm.s32 $0x1CCC8;
	[sflag:s14] =	ssyncadd.s32 $0xFFFFD580  }
0xa0: {  	[tilespmem:s20], [sflag:$0x2] =	stream.indirect.gather [hbm4b:s4+s17], $0x88, s25, s17, $0xb8;
	[tilespmem:$0x1F2E8] =	vst v63  }
0xa1: {  	_ =	swait.ge [sflag:s24], $0x2A80  }
0xa2: {  	[sflag:s24] =	ssyncset.done $0x0  }
0xa3: {  	s29 =	simm.s32 $0x1DFD8;
	[sflag:s24] =	ssyncadd.s32 $0xFFFFD580  }
0xa4: {  	[spmem:s2] =	stream.indirect.scatter.add.f32 [tilespmem:s21], [sflag:$0x4], $0x88, s29, s17, $0xb8;
	[tilespmem:$0x1F2E8] =	vst v63  }
0xa5: {  	_ =	swait.ge [sflag:s14], $0x2A80  }
0xa6: {  	s0 =	simm.s32 $0x780;
	s31 =	simm.s32 $0xF0;
	[sflag:s14] =	ssyncset.done $0x0  }
.LBB2_4:
0xa7: {  	s1 =	sadd.s32 $0x1CC28, s31  }
0xa8: {  	[sflag:s14] =	ssyncadd.s32 $0xFFFFD580;
	s25 =	smov.u32 s0;
	s29 =	sadd.s32 $0x3C0, s0  }
0xa9: {  	[tilespmem:s21], [sflag:$0x3] =	stream.indirect.gather [hbm4b:s4+s17], $0x88, s1, s17, $0xb8;
	[tilespmem:$0x1F2E8] =	vst v63  }
0xaa: {  	p0 =	sne.s32 s0, $0x4740;
	_ =	swait.ge [sflag:s22], $0x2A80  }
0xab: {  	[sflag:s22] =	ssyncset.done $0x0  }
0xac: {  	s0 =	sadd.s32 $0x1DF38, s31;
	[sflag:s22] =	ssyncadd.s32 $0xFFFFD580  }
0xad: {  	[spmem:s2] =	stream.indirect.scatter.add.f32 [tilespmem:s18], [sflag:$0x4], $0x88, s0, s17, $0xb8;
	[tilespmem:$0x1F2E8] =	vst v63  }
0xae: {  	_ =	swait.ge [sflag:s14], $0x2A80  }
0xaf: {  	[sflag:s14] =	ssyncset.done $0x0  }
0xb0: {  	s0 =	sadd.s32 $0x1CC78, s31;
	[sflag:s14] =	ssyncadd.s32 $0xFFFFD580  }
0xb1: {  	[tilespmem:s18], [sflag:$0x1] =	stream.indirect.gather [hbm4b:s4+s17], $0x88, s0, s17, $0xb8;
	[tilespmem:$0x1F2E8] =	vst v63  }
0xb2: {  	_ =	swait.ge [sflag:s23], $0x2A80  }
0xb3: {  	[sflag:s23] =	ssyncset.done $0x0  }
0xb4: {  	s0 =	sadd.s32 $0x1DF88, s31;
	[sflag:s23] =	ssyncadd.s32 $0xFFFFD580  }
0xb5: {  	[spmem:s2] =	stream.indirect.scatter.add.f32 [tilespmem:s20], [sflag:$0x4], $0x88, s0, s17, $0xb8;
	[tilespmem:$0x1F2E8] =	vst v63  }
0xb6: {  	_ =	swait.ge [sflag:s14], $0x2A80  }
0xb7: {  	[sflag:s14] =	ssyncset.done $0x0  }
0xb8: {  	s0 =	sadd.s32 $0x1CCC8, s31;
	[sflag:s14] =	ssyncadd.s32 $0xFFFFD580  }
0xb9: {  	[tilespmem:s20], [sflag:$0x2] =	stream.indirect.gather [hbm4b:s4+s17], $0x88, s0, s17, $0xb8;
	[tilespmem:$0x1F2E8] =	vst v63  }
0xba: {  	_ =	swait.ge [sflag:s24], $0x2A80  }
.Ltmp1:
0xbb: {  	[sflag:s24] =	ssyncset.done $0x0;
	(pc) =	sbr.rel @p0 .LBB2_4-.Ltmp1, $4  }
0xbc: {  	s0 =	sadd.s32 $0x1DFD8, s31;
	[sflag:s24] =	ssyncadd.s32 $0xFFFFD580  }
0xbd: {  	[spmem:s2] =	stream.indirect.scatter.add.f32 [tilespmem:s21], [sflag:$0x4], $0x88, s0, s17, $0xb8;
	[tilespmem:$0x1F2E8] =	vst v63  }
0xbe: {  	_ =	swait.ge [sflag:s14], $0x2A80  }
0xbf: {  	s31 =	sshra.s32 s25, $0x2;
	s0 =	smov.u32 s29;
	[sflag:s14] =	ssyncset.done $0x0  }
0xc0: {  	s0 =	sadd.s32 $0x1CC28, s31;
	[sflag:s14] =	ssyncadd.s32 $0xFFFFD580  }
0xc1: {  	[tilespmem:s21], [sflag:$0x3] =	stream.indirect.gather [hbm4b:s4+s17], $0x88, s0, s17, $0xb8;
	[tilespmem:$0x1F2E8] =	vst v63  }
0xc2: {  	_ =	swait.ge [sflag:s22], $0x2A80  }
0xc3: {  	[sflag:s22] =	ssyncset.done $0x0  }
0xc4: {  	s29 =	sadd.s32 $0x1DF38, s31;
	[sflag:s22] =	ssyncadd.s32 $0xFFFFD580  }
0xc5: {  	[spmem:s2] =	stream.indirect.scatter.add.f32 [tilespmem:s18], [sflag:$0x4], $0x88, s29, s17, $0xb8;
	[tilespmem:$0x1F2E8] =	vst v63  }
0xc6: {  	_ =	swait.ge [sflag:s14], $0x2A80  }
0xc7: {  	[sflag:s14] =	ssyncset.done $0x0  }
0xc8: {  	s1 =	sadd.s32 $0x1CC78, s31;
	[sflag:s14] =	ssyncadd.s32 $0xFFFFD580  }
0xc9: {  	[tilespmem:s18], [sflag:$0x1] =	stream.indirect.gather [hbm4b:s4+s17], $0x88, s1, s17, $0xb8;
	[tilespmem:$0x1F2E8] =	vst v63  }
0xca: {  	_ =	swait.ge [sflag:s23], $0x2A80  }
0xcb: {  	[sflag:s23] =	ssyncset.done $0x0  }
0xcc: {  	s25 =	sadd.s32 $0x1DF88, s31;
	[sflag:s23] =	ssyncadd.s32 $0xFFFFD580  }
0xcd: {  	[spmem:s2] =	stream.indirect.scatter.add.f32 [tilespmem:s20], [sflag:$0x4], $0x88, s25, s17, $0xb8;
	[tilespmem:$0x1F2E8] =	vst v63  }
0xce: {  	_ =	swait.ge [sflag:s14], $0x2A80  }
0xcf: {  	[sflag:s14] =	ssyncset.done $0x0  }
0xd0: {  	s29 =	sadd.s32 $0x1CCC8, s31;
	[sflag:s14] =	ssyncadd.s32 $0xFFFFD580  }
0xd1: {  	[tilespmem:s20], [sflag:$0x2] =	stream.indirect.gather [hbm4b:s4+s17], $0x88, s29, s17, $0xb8;
	[tilespmem:$0x1F2E8] =	vst v63  }
0xd2: {  	_ =	swait.ge [sflag:s24], $0x2A80  }
0xd3: {  	[sflag:s24] =	ssyncset.done $0x0  }
0xd4: {  	s31 =	sadd.s32 $0x1DFD8, s31;
	[sflag:s24] =	ssyncadd.s32 $0xFFFFD580  }
0xd5: {  	[spmem:s2] =	stream.indirect.scatter.add.f32 [tilespmem:s21], [sflag:$0x4], $0x88, s31, s17, $0xb8;
	[tilespmem:$0x1F2E8] =	vst v63  }
0xd6: {  	_ =	swait.ge [sflag:s14], $0x2A80  }
0xd7: {  	[sflag:s14] =	ssyncset.done $0x0  }
0xd8: {  	[sflag:s14] =	ssyncadd.s32 $0xFFFFD580  }
0xd9: {  	_ =	swait.ge [sflag:s22], $0x2A80  }
0xda: {  	[sflag:s22] =	ssyncset.done $0x0  }
0xdb: {  	[sflag:s22] =	ssyncadd.s32 $0xFFFFD580  }
0xdc: {  	[spmem:s2] =	stream.indirect.scatter.add.f32 [tilespmem:s18], [sflag:$0x4], $0x88, s26, s17, $0xb8;
	[tilespmem:$0x1F2E8] =	vst v63  }
0xdd: {  	_ =	swait.ge [sflag:s14], $0x2A80  }
0xde: {  	[sflag:s14] =	ssyncset.done $0x0  }
0xdf: {  	[sflag:s14] =	ssyncadd.s32 $0xFFFFD580  }
0xe0: {  	_ =	swait.ge [sflag:s23], $0x2A80  }
0xe1: {  	[sflag:s23] =	ssyncset.done $0x0  }
0xe2: {  	[sflag:s23] =	ssyncadd.s32 $0xFFFFD580  }
0xe3: {  	[spmem:s2] =	stream.indirect.scatter.add.f32 [tilespmem:s20], [sflag:$0x4], $0x88, s28, s17, $0xb8;
	[tilespmem:$0x1F2E8] =	vst v63  }
0xe4: {  	_ =	swait.ge [sflag:s14], $0x2A80  }
0xe5: {  	s30 =	sadd.s32 $0x1, s30;
	[sflag:s14] =	ssyncset.done $0x0  }
0xe6: {  	p0 =	sne.s32 s30, s12;
	[sflag:s14] =	ssyncadd.s32 $0xFFFFD580  }
.Ltmp2:
0xe7: {  	[bflag:$0x0] =	sbarrier.arrive $0xFFFF;
	(pc) =	sbr.rel @p0 .LBB2_1-.Ltmp2, $4  }
0xe8: {  	[hbm:s11], [sflag:s6] =	dma.local [spmem:s13], $0x2981  }
0xe9: {  	_ =	swait.ge [sflag:s14], $0x2981  }
0xea: {  	[sflag:s14] =	ssyncset.done $0x0  }
0xeb: {  	[sflag:s14] =	ssyncadd.s32 $0xFFFFD67F  }
0xec: {  	_ =	sfence.sel $0x180000  }
0xed: {  	[bflag:$0x0] =	sbarrier.arrive $0xFFFF  }
0xee: {  	_ =	strace $0x9000004A  }
0xef: {  	s0 =	stileid.u32;
	[bflag:$0x2] =	sbarrier.arrive $0xFFFF  }
0xf0: {  	p0 =	sne.s32 s0, $0x0;
	s0 =	rddreg [dreg:$0x3]  }
0xf1: {  	s0 =	sadd.s32 @!p0 $0x100000, s0  }
0xf2: {  	[sflag:s0] =	ssyncadd.tile.s32 @!p0 $0x1;
	_ =	shalt  }
.Lfunc_end2:
_tile_overlayer_lowered:
.L_overlay_start_2:
0xf3: {  	(tag) =	ssettag $0x2  }
0xf4: {  	s0 =	rddreg [dreg:$0x0];
	s2 =	stileid.u32  }
0xf5: {  	s1 =	rddreg [dreg:$0x1];
	p0 =	sne.s32 s2, $0x0  }
0xf6: {  	s3 =	rddreg [dreg:$0x2];
	[bflag:$0x3] =	sbarrier.arrive $0xFFFF;
	s2 =	simm.s32 @!p0 $0x1C04  }
0xf7: {  	[timem:s3], [sflag:s2] =	dma.local @!p0 [hbm:s0], s1  }
0xf8: {  	s0 =	simm.s32 @!p0 $0x4  }
0xf9: {  	_ =	swait.ge @!p0 [sflag:s0], s1  }
0xfa: {  	s1 =	ssub.s32 @!p0 $0x0, s1;
	[sflag:s0] =	ssyncset.done @!p0 $0x0  }
0xfb: {  	[sflag:s0] =	ssyncadd.s32 @!p0 s1  }
0xfc: {  	[bflag:$0x3] =	sbarrier.arrive $0xFFFF  }
0xfd: {  	_ =	shalt  }

</sc_bundles>
